<compile_context>
chip_gen: v7x
topology: tpu7x:2x2x1
jax: 0.10.2.dev20260603
libtpu: 0.0.44.dev20260713+nightly
codegen_flags: <defaults>
</compile_context>

<pallas_src>
import functools

import jax
import jax.numpy as jnp
from jax import lax
from jax.experimental import pallas as pl
from jax.experimental.pallas import tpu as pltpu
from jax.experimental.pallas import tpu_sc as plsc

NC = 2
NS = 16
NW = NC * NS
CHUNK = 64
GRP = 32


def _node_matmul(nf, W, Wb):
    n, d = nf.shape
    d2 = W.shape[1]
    blk = 2000
    grid = n // blk

    def body(nf_ref, w_ref, b_ref, hs_ref, h_ref):
        hall = jnp.dot(nf_ref[...], w_ref[...],
                       preferred_element_type=jnp.float32) + b_ref[...]
        hs_ref[...] = hall[:, : d2 // 2]
        h_ref[...] = hall[:, d2 // 2:]

    return pl.pallas_call(
        body,
        grid=(grid,),
        in_specs=[
            pl.BlockSpec((blk, d), lambda i: (i, 0)),
            pl.BlockSpec((d, d2), lambda i: (0, 0)),
            pl.BlockSpec((1, d2), lambda i: (0, 0)),
        ],
        out_specs=[
            pl.BlockSpec((blk, d2 // 2), lambda i: (i, 0)),
            pl.BlockSpec((blk, d2 // 2), lambda i: (i, 0)),
        ],
        out_shape=[
            jax.ShapeDtypeStruct((n, d2 // 2), jnp.float32),
            jax.ShapeDtypeStruct((n, d2 // 2), jnp.float32),
        ],
    )(nf, W, Wb.reshape(1, d2))


def _sc_aggregate(h, send2d, recv2d, eidx, ef1, zA, zD, zE, R, cpt0, cpt1):
    D = h.shape[1]
    DE = 16
    rpt = R // NS
    mesh = plsc.VectorSubcoreMesh(core_axis_name="c", subcore_axis_name="s")

    @functools.partial(
        pl.kernel,
        mesh=mesh,
        out_type=[
            jax.ShapeDtypeStruct((NC * R, D), jnp.float32),
            jax.ShapeDtypeStruct((NC * R * DE,), jnp.float32),
            jax.ShapeDtypeStruct((NC * R,), jnp.float32),
        ],
        scratch_types=[
            pltpu.VMEM((GRP, CHUNK), jnp.int32),
            pltpu.VMEM((GRP, CHUNK), jnp.int32),
            pltpu.VMEM((2, CHUNK, D), jnp.float32),
            pltpu.VMEM((2, CHUNK * DE // 128, 128), jnp.int32),
            pltpu.VMEM((2, CHUNK * DE), jnp.float32),
            pltpu.VMEM((CHUNK,), jnp.float32),
            pltpu.VMEM_SHARED((R, D), jnp.float32),
            pltpu.VMEM_SHARED((R * DE,), jnp.float32),
            pltpu.VMEM_SHARED((R,), jnp.float32),
            pltpu.SemaphoreType.DMA,
            pltpu.SemaphoreType.DMA,
            pltpu.SemaphoreType.DMA,
            pltpu.SemaphoreType.DMA,
            pltpu.SemaphoreType.DMA,
            pltpu.SemaphoreType.DMA,
            pltpu.SemaphoreType.DMA,
            pltpu.SemaphoreType.DMA,
        ],
    )
    def k(h_hbm, s_hbm, r_hbm, eidx_hbm, ef1_hbm, zA_hbm, zD_hbm, zE_hbm,
          outH, outEF, outD,
          idx_s, idx_r, hbuf, eidx_v, efb1, ones64, accH, accEF, accD,
          sg0, sg1, sx0, sx1, sf0, sf1, ss0, ss1):
        c = lax.axis_index("c")
        s = lax.axis_index("s")
        w = c * NS + s
        nsub = CHUNK * DE // 128
        sg = (sg0, sg1)
        sx = (sx0, sx1)
        sf = (sf0, sf1)
        ss = (ss0, ss1)

        pltpu.sync_copy(zA_hbm, accH.at[pl.ds(s * rpt, rpt)])
        pltpu.sync_copy(zD_hbm, accD.at[pl.ds(s * rpt, rpt)])
        pltpu.sync_copy(zE_hbm, accEF.at[pl.ds(s * rpt * DE, rpt * DE)])

        def ob(u, carry):
            ones64[pl.ds(u * 16, 16)] = jnp.ones((16,), jnp.float32)
            return carry

        lax.fori_loop(0, CHUNK // 16, ob, 0)
        plsc.subcore_barrier()

        def loads(g0, j, b):
            j0 = g0 + j
            return (
                pltpu.make_async_copy(h_hbm.at[idx_s.at[j]],
                                      hbuf.at[b], sg[b]),
                pltpu.make_async_copy(eidx_hbm.at[pl.ds(j0 * nsub, nsub)],
                                      eidx_v.at[b], sx[b]),
                pltpu.make_async_copy(
                    ef1_hbm.at[pl.ds(j0 * CHUNK * DE, CHUNK * DE)],
                    efb1.at[b], sf[b]),
            )

        def start(g0, j, b):
            for cp in loads(g0, j, b):
                cp.start()

        def scatter_start(j, b):
            pltpu.async_copy(hbuf.at[b], accH.at[idx_r.at[j]], ss[b],
                             add=True)
            for u in range(nsub):
                pltpu.async_copy(efb1.at[b].at[pl.ds(u * 128, 128)],
                                 accEF.at[eidx_v.at[b].at[u]], ss[b],
                                 add=True)
            pltpu.async_copy(ones64, accD.at[idx_r.at[j]], ss[b], add=True)

        def scatter_drain(b):
            pltpu.make_async_copy(hbuf.at[b], accH.at[idx_r.at[0]],
                                  ss[b]).wait()
            pltpu.make_async_copy(efb1.at[b], accEF.at[pl.ds(0, CHUNK * DE)],
                                  ss[b]).wait()
            pltpu.make_async_copy(ones64, accD.at[pl.ds(0, CHUNK)],
                                  ss[b]).wait()

        base = w * cpt0
        ngrp = cpt0 // GRP

        def group(g, carry):
            g0 = base + g * GRP
            pltpu.sync_copy(s_hbm.at[pl.ds(g0, GRP)], idx_s)
            pltpu.sync_copy(r_hbm.at[pl.ds(g0, GRP)], idx_r)
            start(g0, 0, 0)

            def pair(p, carry2):
                for b in range(2):
                    j = 2 * p + b
                    for cp in loads(g0, j, b):
                        cp.wait()
                    scatter_start(j, b)
                    if b == 0:
                        @pl.when((g > 0) | (p > 0))
                        def _():
                            scatter_drain(1)
                    else:
                        scatter_drain(0)

                    @pl.when(j < GRP - 1)
                    def _():
                        start(g0, j + 1, 1 - b)
                return carry2

            lax.fori_loop(0, GRP // 2, pair, 0)
            return carry

        lax.fori_loop(0, ngrp, group, 0)
        scatter_drain(1)
        plsc.subcore_barrier()

        r0 = s * rpt
        pltpu.sync_copy(accH.at[pl.ds(r0, rpt)],
                        outH.at[pl.ds(c * R + r0, rpt)])
        pltpu.sync_copy(accEF.at[pl.ds(r0 * DE, rpt * DE)],
                        outEF.at[pl.ds((c * R + r0) * DE, rpt * DE)])
        pltpu.sync_copy(accD.at[pl.ds(r0, rpt)],
                        outD.at[pl.ds(c * R + r0, rpt)])

    return k(h, send2d, recv2d, eidx, ef1, zA, zD, zE)


def _combine(h_self, aggH, aggEF, aggD, We, Web):
    n, d = h_self.shape
    de = We.shape[0]
    blk = 2000
    grid = n // blk

    def body(hs_ref, aH_ref, aE_ref, aD_ref, we_ref, wb_ref, out_ref):
        deg = aD_ref[0] + aD_ref[1]
        aggh = aH_ref[0] + aH_ref[1]
        aggef = aE_ref[0] + aE_ref[1]
        t = aggh + jnp.dot(aggef, we_ref[...],
                           preferred_element_type=jnp.float32)
        t = t + deg * wb_ref[...]
        out_ref[...] = hs_ref[...] + jnp.maximum(deg, 1.0) * t

    return pl.pallas_call(
        body,
        grid=(grid,),
        in_specs=[
            pl.BlockSpec((blk, d), lambda i: (i, 0)),
            pl.BlockSpec((2, blk, d), lambda i: (0, i, 0)),
            pl.BlockSpec((2, blk, de), lambda i: (0, i, 0)),
            pl.BlockSpec((2, blk, 1), lambda i: (0, i, 0)),
            pl.BlockSpec((de, d), lambda i: (0, 0)),
            pl.BlockSpec((1, d), lambda i: (0, 0)),
        ],
        out_specs=pl.BlockSpec((blk, d), lambda i: (i, 0)),
        out_shape=jax.ShapeDtypeStruct((n, d), jnp.float32),
    )(h_self, aggH, aggEF, aggD, We, Web.reshape(1, d))


@jax.jit
def kernel(node_features, senders, receivers, edge_features,
           W_kernel, W_bias, We_kernel, We_bias):
    n, d = node_features.shape
    e = senders.shape[0]
    de = edge_features.shape[1]

    cpt = -(-(-(-e // (NW * CHUNK))) // GRP) * GRP
    cpt0 = cpt1 = cpt
    e_pad = NW * cpt * CHUNK
    pad = e_pad - e
    R = -(-(n + 1) // (NS * 64)) * (NS * 64)
    s32 = jnp.concatenate(
        [senders.astype(jnp.int32), jnp.zeros((pad,), jnp.int32)])
    r32 = jnp.concatenate(
        [receivers.astype(jnp.int32), jnp.full((pad,), n, jnp.int32)])
    send2d = s32.reshape(e_pad // CHUNK, CHUNK)
    recv2d = r32.reshape(e_pad // CHUNK, CHUNK)
    eidx = (r32[:, None] * de +
            jnp.arange(de, dtype=jnp.int32)[None, :]).reshape(-1, 128)
    ef1 = jnp.concatenate(
        [edge_features.reshape(-1), jnp.zeros((pad * de,), jnp.float32)])

    rpt = R // NS
    zA = jnp.zeros((rpt, d), jnp.float32)
    zD = jnp.zeros((rpt,), jnp.float32)
    zE = jnp.zeros((rpt * de,), jnp.float32)

    h_self, h = _node_matmul(node_features, W_kernel, W_bias)
    outH, outEF, outD = _sc_aggregate(
        h, send2d, recv2d, eidx, ef1, zA, zD, zE, R, cpt0, cpt1)
    aggH = outH.reshape(NC, R, d)
    aggEF = outEF.reshape(NC, R, de)
    aggD = outD.reshape(NC, R, 1)
    return _combine(h_self, aggH, aggEF, aggD, We_kernel, We_bias)

# --- scband reference (transcript-rebuilt; emitter-appended) ---
"""Pipeline reference for scband-graph-sage-52690658787597 (READ-ONLY COPY).

The authoritative reference and input builder live on the scoring server;
editing this copy changes nothing except your own understanding.
"""

import jax, jax.numpy as jnp
import numpy as np

N = 10000
E = 320000
D_FEAT = 128
D_EDGE = 16
EMBED = 128

def setup_inputs(seed: int = 0) -> dict:
    key = jax.random.key(seed)
    k1, k2, k3, k4, k5, k6 = jax.random.split(key, 6)
    node_features = jax.random.normal(k1, (N, D_FEAT), dtype=jnp.float32)
    senders = jax.random.randint(k2, (E,), 0, N).astype(jnp.int64)
    receivers = jax.random.randint(k3, (E,), 0, N).astype(jnp.int64)
    edge_features = jax.random.normal(k4, (E, D_EDGE), dtype=jnp.float32)
    # Dense W: [D_FEAT, 2*EMBED] with xavier_normal init, zero bias
    W_kernel = jax.random.normal(k5, (D_FEAT, 2 * EMBED), dtype=jnp.float32) * np.sqrt(2.0 / (D_FEAT + 2 * EMBED))
    W_bias = jnp.zeros((2 * EMBED,), dtype=jnp.float32)
    # Dense W_e: [D_EDGE, EMBED] with xavier_normal init, zero bias
    We_kernel = jax.random.normal(k6, (D_EDGE, EMBED), dtype=jnp.float32) * np.sqrt(2.0 / (D_EDGE + EMBED))
    We_bias = jnp.zeros((EMBED,), dtype=jnp.float32)
    return {"node_features": node_features, "senders": senders, "receivers": receivers,
            "edge_features": edge_features, "W_kernel": W_kernel, "W_bias": W_bias,
            "We_kernel": We_kernel, "We_bias": We_bias}

def reference(node_features, senders, receivers, edge_features, W_kernel, W_bias, We_kernel, We_bias):
    num_nodes = node_features.shape[-2]
    # W(node_features) -> split into h_self, h
    h_all = node_features @ W_kernel + W_bias
    h_self, h = jnp.split(h_all, 2, axis=-1)
    # gather sender messages
    send_edges = jnp.take_along_axis(h, senders[..., None], axis=-2)
    # add edge feature projection
    send_edges = send_edges + (edge_features @ We_kernel + We_bias)
    # in-degree of each receiver node
    in_degree = jax.ops.segment_sum(jnp.ones_like(receivers), receivers, num_segments=num_nodes).astype(jnp.float32)
    recv_degree = jnp.take_along_axis(in_degree, receivers, axis=-1)
    send_edges = send_edges * recv_degree.clip(1, None)[..., None]
    # scatter-add aggregation to receiver nodes
    nodes = h_self + jax.ops.segment_sum(send_edges, receivers, num_segments=num_nodes)
    return nodes

if __name__ == "__main__":
    import jax
    _d = setup_inputs()
    print(jax.jit(kernel)(*tuple(_d.values())))

</pallas_src>

<mosaic_0001>
#map = affine_map<(d0, d1) -> (0, 0)>
#map1 = affine_map<(d0, d1) -> (0)>
module attributes {stable_mosaic.version = 14 : i64} {
  func.func @k(%arg0: i32, %arg1: i32, %arg2: memref<10000x128xf32, #tpu.memory_space<hbm>>, %arg3: memref<5120x64xi32, #tpu.memory_space<hbm>>, %arg4: memref<5120x64xi32, #tpu.memory_space<hbm>>, %arg5: memref<40960x128xi32, #tpu.memory_space<hbm>>, %arg6: memref<5242880xf32, #tpu.memory_space<hbm>>, %arg7: memref<640x128xf32, #tpu.memory_space<hbm>>, %arg8: memref<640xf32, #tpu.memory_space<hbm>>, %arg9: memref<10240xf32, #tpu.memory_space<hbm>>, %arg10: memref<20480x128xf32, #tpu.memory_space<hbm>>, %arg11: memref<327680xf32, #tpu.memory_space<hbm>>, %arg12: memref<20480xf32, #tpu.memory_space<hbm>>, %arg13: memref<32x64xi32, #tpu.memory_space<vmem>>, %arg14: memref<32x64xi32, #tpu.memory_space<vmem>>, %arg15: memref<2x64x128xf32, #tpu.memory_space<vmem>>, %arg16: memref<2x8x128xi32, #tpu.memory_space<vmem>>, %arg17: memref<2x1024xf32, #tpu.memory_space<vmem>>, %arg18: memref<64xf32, #tpu.memory_space<vmem>>, %arg19: memref<10240x128xf32, #tpu.memory_space<vmem_shared>>, %arg20: memref<163840xf32, #tpu.memory_space<vmem_shared>>, %arg21: memref<10240xf32, #tpu.memory_space<vmem_shared>>, %arg22: memref<!tpu.dma_semaphore, #tpu.memory_space<semaphore_mem>>, %arg23: memref<!tpu.dma_semaphore, #tpu.memory_space<semaphore_mem>>, %arg24: memref<!tpu.dma_semaphore, #tpu.memory_space<semaphore_mem>>, %arg25: memref<!tpu.dma_semaphore, #tpu.memory_space<semaphore_mem>>, %arg26: memref<!tpu.dma_semaphore, #tpu.memory_space<semaphore_mem>>, %arg27: memref<!tpu.dma_semaphore, #tpu.memory_space<semaphore_mem>>, %arg28: memref<!tpu.dma_semaphore, #tpu.memory_space<semaphore_mem>>, %arg29: memref<!tpu.dma_semaphore, #tpu.memory_space<semaphore_mem>>) attributes {dimension_semantics = [#tpu.dimension_semantics<core_parallel>, #tpu.dimension_semantics<subcore_parallel>], iteration_bounds = array<i64: 2, 16>, scalar_prefetch = 0 : i64, scratch_operands = 17 : i64, tpu.core_type = #tpu.core_type<sc_vector_subcore>, window_params = [{transform_indices = #map}, {transform_indices = #map}, {transform_indices = #map}, {transform_indices = #map}, {transform_indices = #map1}, {transform_indices = #map}, {transform_indices = #map1}, {transform_indices = #map1}, {transform_indices = #map}, {transform_indices = #map1}, {transform_indices = #map1}]} {
    %mul3A = arith.constant 16 : i32
    %mul3A_0 = arith.muli %arg0, %mul3A : i32
    %add3A = arith.addi %mul3A_0, %arg1 : i32
    %mul3A_1 = arith.constant 640 : i32
    %mul3A_2 = arith.muli %arg1, %mul3A_1 : i32
    "tpu.region"() ({
      %run_scoped3A = tpu.sem_alloc : memref<!tpu.dma_semaphore, #tpu.memory_space<semaphore_mem>>
      %dma_start3A = arith.constant 0 : i32
      %dma_start3A_64 = tpu.memref_slice %arg19[%mul3A_2, %dma_start3A] : memref<10240x128xf32, #tpu.memory_space<vmem_shared>> -> memref<640x128xf32, #tpu.memory_space<vmem_shared>>
      tpu.enqueue_dma source(%arg7 : memref<640x128xf32, #tpu.memory_space<hbm>>) target(%dma_start3A_64 : memref<640x128xf32, #tpu.memory_space<vmem_shared>>) target_semaphore(%run_scoped3A : memref<!tpu.dma_semaphore, #tpu.memory_space<semaphore_mem>>)
      %dma_wait3A_65 = arith.constant 0 : i32
      %dma_wait3A_66 = tpu.memref_slice %arg19[%mul3A_2, %dma_wait3A_65] : memref<10240x128xf32, #tpu.memory_space<vmem_shared>> -> memref<640x128xf32, #tpu.memory_space<vmem_shared>>
      tpu.wait_dma2 semaphore(%run_scoped3A : memref<!tpu.dma_semaphore, #tpu.memory_space<semaphore_mem>>) src(%arg7 : memref<640x128xf32, #tpu.memory_space<hbm>>) dst(%dma_wait3A_66 : memref<640x128xf32, #tpu.memory_space<vmem_shared>>)
      tpu.yield
    }) : () -> ()
    %mul3A_3 = arith.constant 640 : i32
    %mul3A_4 = arith.muli %arg1, %mul3A_3 : i32
    "tpu.region"() ({
      %run_scoped3A = tpu.sem_alloc : memref<!tpu.dma_semaphore, #tpu.memory_space<semaphore_mem>>
      %dma_start3A = tpu.memref_slice %arg21[%mul3A_4] : memref<10240xf32, #tpu.memory_space<vmem_shared>> -> memref<640xf32, #tpu.memory_space<vmem_shared>>
      tpu.enqueue_dma source(%arg8 : memref<640xf32, #tpu.memory_space<hbm>>) target(%dma_start3A : memref<640xf32, #tpu.memory_space<vmem_shared>>) target_semaphore(%run_scoped3A : memref<!tpu.dma_semaphore, #tpu.memory_space<semaphore_mem>>)
      %dma_wait3A_64 = tpu.memref_slice %arg21[%mul3A_4] : memref<10240xf32, #tpu.memory_space<vmem_shared>> -> memref<640xf32, #tpu.memory_space<vmem_shared>>
      tpu.wait_dma2 semaphore(%run_scoped3A : memref<!tpu.dma_semaphore, #tpu.memory_space<semaphore_mem>>) src(%arg8 : memref<640xf32, #tpu.memory_space<hbm>>) dst(%dma_wait3A_64 : memref<640xf32, #tpu.memory_space<vmem_shared>>)
      tpu.yield
    }) : () -> ()
    %mul3A_5 = arith.constant 640 : i32
    %mul3A_6 = arith.muli %arg1, %mul3A_5 : i32
    %mul3A_7 = arith.constant 16 : i32
    %mul3A_8 = arith.muli %mul3A_6, %mul3A_7 : i32
    "tpu.region"() ({
      %run_scoped3A = tpu.sem_alloc : memref<!tpu.dma_semaphore, #tpu.memory_space<semaphore_mem>>
      %dma_start3A = tpu.memref_slice %arg20[%mul3A_8] : memref<163840xf32, #tpu.memory_space<vmem_shared>> -> memref<10240xf32, #tpu.memory_space<vmem_shared>>
      tpu.enqueue_dma source(%arg9 : memref<10240xf32, #tpu.memory_space<hbm>>) target(%dma_start3A : memref<10240xf32, #tpu.memory_space<vmem_shared>>) target_semaphore(%run_scoped3A : memref<!tpu.dma_semaphore, #tpu.memory_space<semaphore_mem>>)
      %dma_wait3A_64 = tpu.memref_slice %arg20[%mul3A_8] : memref<163840xf32, #tpu.memory_space<vmem_shared>> -> memref<10240xf32, #tpu.memory_space<vmem_shared>>
      tpu.wait_dma2 semaphore(%run_scoped3A : memref<!tpu.dma_semaphore, #tpu.memory_space<semaphore_mem>>) src(%arg9 : memref<10240xf32, #tpu.memory_space<hbm>>) dst(%dma_wait3A_64 : memref<10240xf32, #tpu.memory_space<vmem_shared>>)
      tpu.yield
    }) : () -> ()
    %scan3A = arith.constant 0 : i32
    %scan3A_9 = arith.constant 0 : i32
    %scan3A_10 = arith.constant 4 : i32
    %scan3A_11 = arith.addi %scan3A_9, %scan3A_10 : i32
    %scan3A_12 = arith.constant 1 : i32
    scf.for %scan3A_64 = %scan3A_9 to %scan3A_11 step %scan3A_12  : i32 {
      %broadcast_in_dim3A = arith.constant 1.000000e+00 : f32
      %broadcast_in_dim3A_65 = vector.broadcast %broadcast_in_dim3A : f32 to vector<16xf32>
      %mul3A_66 = arith.constant 16 : i32
      %mul3A_67 = arith.muli %scan3A_64, %mul3A_66 : i32
      %swap3A = arith.index_cast %mul3A_67 : i32 to index
      %swap3A_68 = tpu.vector_load %arg18[%swap3A] {strides = array<i32>} : memref<64xf32, #tpu.memory_space<vmem>>, vector<16xf32>,
      %swap3A_69 = vector.shape_cast %swap3A_68 : vector<16xf32> to vector<16xf32>
      %swap3A_70 = vector.shape_cast %broadcast_in_dim3A_65 : vector<16xf32> to vector<16xf32>
      tpu.vector_store %arg18[%swap3A], %swap3A_70 {strides = array<i32>} : memref<64xf32, #tpu.memory_space<vmem>>, vector<16xf32>,
    }
    %scan3A_13 = arith.constant 4 : i32
    %barrier3A = arith.constant 0 : index
    tpu.barrier barrier_id(%barrier3A)
    %mul3A_14 = arith.constant 160 : i32
    %mul3A_15 = arith.muli %add3A, %mul3A_14 : i32
    %scan3A_16 = arith.constant 0 : i32
    %scan3A_17 = arith.constant 0 : i32
    %scan3A_18 = arith.constant 5 : i32
    %scan3A_19 = arith.addi %scan3A_17, %scan3A_18 : i32
    %scan3A_20 = arith.constant 1 : i32
    scf.for %scan3A_64 = %scan3A_17 to %scan3A_19 step %scan3A_20  : i32 {
      %mul3A_65 = arith.constant 32 : i32
      %mul3A_66 = arith.muli %scan3A_64, %mul3A_65 : i32
      %add3A_67 = arith.addi %mul3A_15, %mul3A_66 : i32
      "tpu.region"() ({
        %run_scoped3A = tpu.sem_alloc : memref<!tpu.dma_semaphore, #tpu.memory_space<semaphore_mem>>
        %dma_start3A_115 = arith.constant 0 : i32
        %dma_start3A_116 = tpu.memref_slice %arg3[%add3A_67, %dma_start3A_115] : memref<5120x64xi32, #tpu.memory_space<hbm>> -> memref<32x64xi32, #tpu.memory_space<hbm>>
        %dma_start3A_117 = arith.constant 0 : i32
        %dma_start3A_118 = tpu.memref_slice %arg3[%add3A_67, %dma_start3A_117] : memref<5120x64xi32, #tpu.memory_space<hbm>> -> memref<32x64xi32, #tpu.memory_space<hbm>>
        tpu.enqueue_dma source(%dma_start3A_118 : memref<32x64xi32, #tpu.memory_space<hbm>>) target(%arg13 : memref<32x64xi32, #tpu.memory_space<vmem>>) target_semaphore(%run_scoped3A : memref<!tpu.dma_semaphore, #tpu.memory_space<semaphore_mem>>)
        %dma_wait3A_119 = arith.constant 0 : i32
        %dma_wait3A_120 = tpu.memref_slice %arg3[%add3A_67, %dma_wait3A_119] : memref<5120x64xi32, #tpu.memory_space<hbm>> -> memref<32x64xi32, #tpu.memory_space<hbm>>
        %dma_wait3A_121 = arith.constant 0 : i32
        %dma_wait3A_122 = tpu.memref_slice %arg3[%add3A_67, %dma_wait3A_121] : memref<5120x64xi32, #tpu.memory_space<hbm>> -> memref<32x64xi32, #tpu.memory_space<hbm>>
        tpu.wait_dma2 semaphore(%run_scoped3A : memref<!tpu.dma_semaphore, #tpu.memory_space<semaphore_mem>>) src(%dma_wait3A_122 : memref<32x64xi32, #tpu.memory_space<hbm>>) dst(%arg13 : memref<32x64xi32, #tpu.memory_space<vmem>>)
        tpu.yield
      }) : () -> ()
      "tpu.region"() ({
        %run_scoped3A = tpu.sem_alloc : memref<!tpu.dma_semaphore, #tpu.memory_space<semaphore_mem>>
        %dma_start3A_115 = arith.constant 0 : i32
        %dma_start3A_116 = tpu.memref_slice %arg4[%add3A_67, %dma_start3A_115] : memref<5120x64xi32, #tpu.memory_space<hbm>> -> memref<32x64xi32, #tpu.memory_space<hbm>>
        %dma_start3A_117 = arith.constant 0 : i32
        %dma_start3A_118 = tpu.memref_slice %arg4[%add3A_67, %dma_start3A_117] : memref<5120x64xi32, #tpu.memory_space<hbm>> -> memref<32x64xi32, #tpu.memory_space<hbm>>
        tpu.enqueue_dma source(%dma_start3A_118 : memref<32x64xi32, #tpu.memory_space<hbm>>) target(%arg14 : memref<32x64xi32, #tpu.memory_space<vmem>>) target_semaphore(%run_scoped3A : memref<!tpu.dma_semaphore, #tpu.memory_space<semaphore_mem>>)
        %dma_wait3A_119 = arith.constant 0 : i32
        %dma_wait3A_120 = tpu.memref_slice %arg4[%add3A_67, %dma_wait3A_119] : memref<5120x64xi32, #tpu.memory_space<hbm>> -> memref<32x64xi32, #tpu.memory_space<hbm>>
        %dma_wait3A_121 = arith.constant 0 : i32
        %dma_wait3A_122 = tpu.memref_slice %arg4[%add3A_67, %dma_wait3A_121] : memref<5120x64xi32, #tpu.memory_space<hbm>> -> memref<32x64xi32, #tpu.memory_space<hbm>>
        tpu.wait_dma2 semaphore(%run_scoped3A : memref<!tpu.dma_semaphore, #tpu.memory_space<semaphore_mem>>) src(%dma_wait3A_122 : memref<32x64xi32, #tpu.memory_space<hbm>>) dst(%arg14 : memref<32x64xi32, #tpu.memory_space<vmem>>)
        tpu.yield
      }) : () -> ()
      %add3A_68 = arith.constant 0 : i32
      %add3A_69 = arith.addi %add3A_67, %add3A_68 : i32
      %mul3A_70 = arith.constant 8 : i32
      %mul3A_71 = arith.muli %add3A_69, %mul3A_70 : i32
      %mul3A_72 = arith.constant 64 : i32
      %mul3A_73 = arith.muli %add3A_69, %mul3A_72 : i32
      %mul3A_74 = arith.constant 16 : i32
      %mul3A_75 = arith.muli %mul3A_73, %mul3A_74 : i32
      %dma_start3A = arith.constant 0 : i32
      %dma_start3A_76 = arith.constant 0 : i32
      %dma_start3A_77 = arith.constant 0 : i32
      %dma_start3A_78 = arith.constant 0 : i32
      %dma_start3A_79 = tpu.memref_slice %arg15[%dma_start3A_76, %dma_start3A_77, %dma_start3A_78] : memref<2x64x128xf32, #tpu.memory_space<vmem>> -> memref<1x64x128xf32, #tpu.memory_space<vmem>>
      %dma_start3A_80 = tpu.memref_squeeze %dma_start3A_79 : memref<1x64x128xf32, #tpu.memory_space<vmem>> -> memref<64x128xf32, #tpu.memory_space<vmem>>
      %dma_start3A_81 = arith.constant 0 : i32
      %dma_start3A_82 = tpu.memref_slice %arg13[%dma_start3A, %dma_start3A_81] : memref<32x64xi32, #tpu.memory_space<vmem>> -> memref<1x64xi32, #tpu.memory_space<vmem>>
      %dma_start3A_83 = tpu.memref_squeeze %dma_start3A_82 : memref<1x64xi32, #tpu.memory_space<vmem>> -> memref<64xi32, #tpu.memory_space<vmem>>
      %dma_start3A_84 = arith.constant 0 : i32
      %dma_start3A_85 = arith.constant 0 : i32
      %dma_start3A_86 = tpu.memref_slice %arg2[%dma_start3A_84, %dma_start3A_85] : memref<10000x128xf32, #tpu.memory_space<hbm>> -> memref<10000x128xf32, #tpu.memory_space<hbm>>
      tpu.enqueue_indirect_dma source(%dma_start3A_86 : memref<10000x128xf32, #tpu.memory_space<hbm>>) target(%dma_start3A_80 : memref<64x128xf32, #tpu.memory_space<vmem>>) offsets(%dma_start3A_83 : memref<64xi32, #tpu.memory_space<vmem>>) semaphore(%arg22 : memref<!tpu.dma_semaphore, #tpu.memory_space<semaphore_mem>>)
      %dma_start3A_87 = arith.constant 0 : i32
      %dma_start3A_88 = arith.constant 0 : i32
      %dma_start3A_89 = arith.constant 0 : i32
      %dma_start3A_90 = tpu.memref_slice %arg16[%dma_start3A_87, %dma_start3A_88, %dma_start3A_89] : memref<2x8x128xi32, #tpu.memory_space<vmem>> -> memref<1x8x128xi32, #tpu.memory_space<vmem>>
      %dma_start3A_91 = tpu.memref_squeeze %dma_start3A_90 : memref<1x8x128xi32, #tpu.memory_space<vmem>> -> memref<8x128xi32, #tpu.memory_space<vmem>>
      %dma_start3A_92 = arith.constant 0 : i32
      %dma_start3A_93 = tpu.memref_slice %arg5[%mul3A_71, %dma_start3A_92] : memref<40960x128xi32, #tpu.memory_space<hbm>> -> memref<8x128xi32, #tpu.memory_space<hbm>>
      %dma_start3A_94 = arith.constant 0 : i32
      %dma_start3A_95 = arith.constant 0 : i32
      %dma_start3A_96 = tpu.memref_slice %arg16[%dma_start3A_87, %dma_start3A_94, %dma_start3A_95] : memref<2x8x128xi32, #tpu.memory_space<vmem>> -> memref<1x8x128xi32, #tpu.memory_space<vmem>>
      %dma_start3A_97 = tpu.memref_squeeze %dma_start3A_96 : memref<1x8x128xi32, #tpu.memory_space<vmem>> -> memref<8x128xi32, #tpu.memory_space<vmem>>
      %dma_start3A_98 = arith.constant 0 : i32
      %dma_start3A_99 = tpu.memref_slice %arg5[%mul3A_71, %dma_start3A_98] : memref<40960x128xi32, #tpu.memory_space<hbm>> -> memref<8x128xi32, #tpu.memory_space<hbm>>
      tpu.enqueue_dma source(%dma_start3A_99 : memref<8x128xi32, #tpu.memory_space<hbm>>) target(%dma_start3A_97 : memref<8x128xi32, #tpu.memory_space<vmem>>) target_semaphore(%arg24 : memref<!tpu.dma_semaphore, #tpu.memory_space<semaphore_mem>>)
      %dma_start3A_100 = arith.constant 0 : i32
      %dma_start3A_101 = arith.constant 0 : i32
      %dma_start3A_102 = tpu.memref_slice %arg17[%dma_start3A_100, %dma_start3A_101] : memref<2x1024xf32, #tpu.memory_space<vmem>> -> memref<1x1024xf32, #tpu.memory_space<vmem>>
      %dma_start3A_103 = tpu.memref_squeeze %dma_start3A_102 : memref<1x1024xf32, #tpu.memory_space<vmem>> -> memref<1024xf32, #tpu.memory_space<vmem>>
      %dma_start3A_104 = tpu.memref_slice %arg6[%mul3A_75] : memref<5242880xf32, #tpu.memory_space<hbm>> -> memref<1024xf32, #tpu.memory_space<hbm>>
      %dma_start3A_105 = arith.constant 0 : i32
      %dma_start3A_106 = tpu.memref_slice %arg17[%dma_start3A_100, %dma_start3A_105] : memref<2x1024xf32, #tpu.memory_space<vmem>> -> memref<1x1024xf32, #tpu.memory_space<vmem>>
      %dma_start3A_107 = tpu.memref_squeeze %dma_start3A_106 : memref<1x1024xf32, #tpu.memory_space<vmem>> -> memref<1024xf32, #tpu.memory_space<vmem>>
      %dma_start3A_108 = tpu.memref_slice %arg6[%mul3A_75] : memref<5242880xf32, #tpu.memory_space<hbm>> -> memref<1024xf32, #tpu.memory_space<hbm>>
      tpu.enqueue_dma source(%dma_start3A_108 : memref<1024xf32, #tpu.memory_space<hbm>>) target(%dma_start3A_107 : memref<1024xf32, #tpu.memory_space<vmem>>) target_semaphore(%arg26 : memref<!tpu.dma_semaphore, #tpu.memory_space<semaphore_mem>>)
      %scan3A_109 = arith.constant 0 : i32
      %scan3A_110 = arith.constant 0 : i32
      %scan3A_111 = arith.constant 16 : i32
      %scan3A_112 = arith.addi %scan3A_110, %scan3A_111 : i32
      %scan3A_113 = arith.constant 1 : i32
      scf.for %scan3A_115 = %scan3A_110 to %scan3A_112 step %scan3A_113  : i32 {
        %mul3A_116 = arith.constant 2 : i32
        %mul3A_117 = arith.muli %mul3A_116, %scan3A_115 : i32
        %add3A_118 = arith.constant 0 : i32
        %add3A_119 = arith.addi %mul3A_117, %add3A_118 : i32
        %add3A_120 = arith.addi %add3A_67, %add3A_119 : i32
        %mul3A_121 = arith.constant 8 : i32
        %mul3A_122 = arith.muli %add3A_120, %mul3A_121 : i32
        %mul3A_123 = arith.constant 64 : i32
        %mul3A_124 = arith.muli %add3A_120, %mul3A_123 : i32
        %mul3A_125 = arith.constant 16 : i32
        %mul3A_126 = arith.muli %mul3A_124, %mul3A_125 : i32
        %dma_wait3A_127 = arith.constant 0 : i32
        %dma_wait3A_128 = arith.constant 0 : i32
        %dma_wait3A_129 = arith.constant 0 : i32
        %dma_wait3A_130 = tpu.memref_slice %arg15[%dma_wait3A_127, %dma_wait3A_128, %dma_wait3A_129] : memref<2x64x128xf32, #tpu.memory_space<vmem>> -> memref<1x64x128xf32, #tpu.memory_space<vmem>>
        %dma_wait3A_131 = tpu.memref_squeeze %dma_wait3A_130 : memref<1x64x128xf32, #tpu.memory_space<vmem>> -> memref<64x128xf32, #tpu.memory_space<vmem>>
        %dma_wait3A_132 = arith.constant 0 : i32
        %dma_wait3A_133 = tpu.memref_slice %arg13[%add3A_119, %dma_wait3A_132] : memref<32x64xi32, #tpu.memory_space<vmem>> -> memref<1x64xi32, #tpu.memory_space<vmem>>
        %dma_wait3A_134 = tpu.memref_squeeze %dma_wait3A_133 : memref<1x64xi32, #tpu.memory_space<vmem>> -> memref<64xi32, #tpu.memory_space<vmem>>
        %dma_wait3A_135 = arith.constant 0 : i32
        %dma_wait3A_136 = arith.constant 0 : i32
        %dma_wait3A_137 = tpu.memref_slice %arg2[%dma_wait3A_135, %dma_wait3A_136] : memref<10000x128xf32, #tpu.memory_space<hbm>> -> memref<10000x128xf32, #tpu.memory_space<hbm>>
        tpu.wait_indirect_dma semaphore(%arg22 : memref<!tpu.dma_semaphore, #tpu.memory_space<semaphore_mem>>) src(%dma_wait3A_137 : memref<10000x128xf32, #tpu.memory_space<hbm>>) dst(%dma_wait3A_131 : memref<64x128xf32, #tpu.memory_space<vmem>>)
        %dma_wait3A_138 = arith.constant 0 : i32
        %dma_wait3A_139 = arith.constant 0 : i32
        %dma_wait3A_140 = arith.constant 0 : i32
        %dma_wait3A_141 = tpu.memref_slice %arg16[%dma_wait3A_138, %dma_wait3A_139, %dma_wait3A_140] : memref<2x8x128xi32, #tpu.memory_space<vmem>> -> memref<1x8x128xi32, #tpu.memory_space<vmem>>
        %dma_wait3A_142 = tpu.memref_squeeze %dma_wait3A_141 : memref<1x8x128xi32, #tpu.memory_space<vmem>> -> memref<8x128xi32, #tpu.memory_space<vmem>>
        %dma_wait3A_143 = arith.constant 0 : i32
        %dma_wait3A_144 = tpu.memref_slice %arg5[%mul3A_122, %dma_wait3A_143] : memref<40960x128xi32, #tpu.memory_space<hbm>> -> memref<8x128xi32, #tpu.memory_space<hbm>>
        %dma_wait3A_145 = arith.constant 0 : i32
        %dma_wait3A_146 = arith.constant 0 : i32
        %dma_wait3A_147 = tpu.memref_slice %arg16[%dma_wait3A_138, %dma_wait3A_145, %dma_wait3A_146] : memref<2x8x128xi32, #tpu.memory_space<vmem>> -> memref<1x8x128xi32, #tpu.memory_space<vmem>>
        %dma_wait3A_148 = tpu.memref_squeeze %dma_wait3A_147 : memref<1x8x128xi32, #tpu.memory_space<vmem>> -> memref<8x128xi32, #tpu.memory_space<vmem>>
        %dma_wait3A_149 = arith.constant 0 : i32
        %dma_wait3A_150 = tpu.memref_slice %arg5[%mul3A_122, %dma_wait3A_149] : memref<40960x128xi32, #tpu.memory_space<hbm>> -> memref<8x128xi32, #tpu.memory_space<hbm>>
        tpu.wait_dma2 semaphore(%arg24 : memref<!tpu.dma_semaphore, #tpu.memory_space<semaphore_mem>>) src(%dma_wait3A_150 : memref<8x128xi32, #tpu.memory_space<hbm>>) dst(%dma_wait3A_148 : memref<8x128xi32, #tpu.memory_space<vmem>>)
        %dma_wait3A_151 = arith.constant 0 : i32
        %dma_wait3A_152 = arith.constant 0 : i32
        %dma_wait3A_153 = tpu.memref_slice %arg17[%dma_wait3A_151, %dma_wait3A_152] : memref<2x1024xf32, #tpu.memory_space<vmem>> -> memref<1x1024xf32, #tpu.memory_space<vmem>>
        %dma_wait3A_154 = tpu.memref_squeeze %dma_wait3A_153 : memref<1x1024xf32, #tpu.memory_space<vmem>> -> memref<1024xf32, #tpu.memory_space<vmem>>
        %dma_wait3A_155 = tpu.memref_slice %arg6[%mul3A_126] : memref<5242880xf32, #tpu.memory_space<hbm>> -> memref<1024xf32, #tpu.memory_space<hbm>>
        %dma_wait3A_156 = arith.constant 0 : i32
        %dma_wait3A_157 = tpu.memref_slice %arg17[%dma_wait3A_151, %dma_wait3A_156] : memref<2x1024xf32, #tpu.memory_space<vmem>> -> memref<1x1024xf32, #tpu.memory_space<vmem>>
        %dma_wait3A_158 = tpu.memref_squeeze %dma_wait3A_157 : memref<1x1024xf32, #tpu.memory_space<vmem>> -> memref<1024xf32, #tpu.memory_space<vmem>>
        %dma_wait3A_159 = tpu.memref_slice %arg6[%mul3A_126] : memref<5242880xf32, #tpu.memory_space<hbm>> -> memref<1024xf32, #tpu.memory_space<hbm>>
        tpu.wait_dma2 semaphore(%arg26 : memref<!tpu.dma_semaphore, #tpu.memory_space<semaphore_mem>>) src(%dma_wait3A_159 : memref<1024xf32, #tpu.memory_space<hbm>>) dst(%dma_wait3A_158 : memref<1024xf32, #tpu.memory_space<vmem>>)
        %dma_start3A_160 = arith.constant 0 : i32
        %dma_start3A_161 = arith.constant 0 : i32
        %dma_start3A_162 = arith.constant 0 : i32
        %dma_start3A_163 = tpu.memref_slice %arg15[%dma_start3A_160, %dma_start3A_161, %dma_start3A_162] : memref<2x64x128xf32, #tpu.memory_space<vmem>> -> memref<1x64x128xf32, #tpu.memory_space<vmem>>
        %dma_start3A_164 = tpu.memref_squeeze %dma_start3A_163 : memref<1x64x128xf32, #tpu.memory_space<vmem>> -> memref<64x128xf32, #tpu.memory_space<vmem>>
        %dma_start3A_165 = arith.constant 0 : i32
        %dma_start3A_166 = tpu.memref_slice %arg14[%add3A_119, %dma_start3A_165] : memref<32x64xi32, #tpu.memory_space<vmem>> -> memref<1x64xi32, #tpu.memory_space<vmem>>
        %dma_start3A_167 = tpu.memref_squeeze %dma_start3A_166 : memref<1x64xi32, #tpu.memory_space<vmem>> -> memref<64xi32, #tpu.memory_space<vmem>>
        %dma_start3A_168 = arith.constant 0 : i32
        %dma_start3A_169 = arith.constant 0 : i32
        %dma_start3A_170 = tpu.memref_slice %arg19[%dma_start3A_168, %dma_start3A_169] : memref<10240x128xf32, #tpu.memory_space<vmem_shared>> -> memref<10240x128xf32, #tpu.memory_space<vmem_shared>>
        tpu.enqueue_indirect_dma source(%dma_start3A_164 : memref<64x128xf32, #tpu.memory_space<vmem>>) target(%dma_start3A_170 : memref<10240x128xf32, #tpu.memory_space<vmem_shared>>) offsets(%dma_start3A_167 : memref<64xi32, #tpu.memory_space<vmem>>) semaphore(%arg28 : memref<!tpu.dma_semaphore, #tpu.memory_space<semaphore_mem>>) {add = true}
        %dma_start3A_171 = arith.constant 0 : i32
        %dma_start3A_172 = arith.constant 0 : i32
        %dma_start3A_173 = arith.constant 0 : i32
        %dma_start3A_174 = arith.constant 0 : i32
        %dma_start3A_175 = tpu.memref_slice %arg17[%dma_start3A_171, %dma_start3A_174] : memref<2x1024xf32, #tpu.memory_space<vmem>> -> memref<1x1024xf32, #tpu.memory_space<vmem>>
        %dma_start3A_176 = tpu.memref_squeeze %dma_start3A_175 : memref<1x1024xf32, #tpu.memory_space<vmem>> -> memref<1024xf32, #tpu.memory_space<vmem>>
        %dma_start3A_177 = arith.constant 0 : i32
        %dma_start3A_178 = tpu.memref_slice %dma_start3A_176[%dma_start3A_177] : memref<1024xf32, #tpu.memory_space<vmem>> -> memref<128xf32, #tpu.memory_space<vmem>>
        %dma_start3A_179 = arith.constant 0 : i32
        %dma_start3A_180 = arith.constant 0 : i32
        %dma_start3A_181 = tpu.memref_slice %arg16[%dma_start3A_172, %dma_start3A_179, %dma_start3A_180] : memref<2x8x128xi32, #tpu.memory_space<vmem>> -> memref<1x8x128xi32, #tpu.memory_space<vmem>>
        %dma_start3A_182 = tpu.memref_squeeze %dma_start3A_181 : memref<1x8x128xi32, #tpu.memory_space<vmem>> -> memref<8x128xi32, #tpu.memory_space<vmem>>
        %dma_start3A_183 = arith.constant 0 : i32
        %dma_start3A_184 = tpu.memref_slice %dma_start3A_182[%dma_start3A_173, %dma_start3A_183] : memref<8x128xi32, #tpu.memory_space<vmem>> -> memref<1x128xi32, #tpu.memory_space<vmem>>
        %dma_start3A_185 = tpu.memref_squeeze %dma_start3A_184 : memref<1x128xi32, #tpu.memory_space<vmem>> -> memref<128xi32, #tpu.memory_space<vmem>>
        %dma_start3A_186 = arith.constant 0 : i32
        %dma_start3A_187 = tpu.memref_slice %arg20[%dma_start3A_186] : memref<163840xf32, #tpu.memory_space<vmem_shared>> -> memref<163840xf32, #tpu.memory_space<vmem_shared>>
        tpu.enqueue_indirect_dma source(%dma_start3A_178 : memref<128xf32, #tpu.memory_space<vmem>>) target(%dma_start3A_187 : memref<163840xf32, #tpu.memory_space<vmem_shared>>) offsets(%dma_start3A_185 : memref<128xi32, #tpu.memory_space<vmem>>) semaphore(%arg28 : memref<!tpu.dma_semaphore, #tpu.memory_space<semaphore_mem>>) {add = true}
        %dma_start3A_188 = arith.constant 0 : i32
        %dma_start3A_189 = arith.constant 0 : i32
        %dma_start3A_190 = arith.constant 1 : i32
        %dma_start3A_191 = arith.constant 0 : i32
        %dma_start3A_192 = tpu.memref_slice %arg17[%dma_start3A_188, %dma_start3A_191] : memref<2x1024xf32, #tpu.memory_space<vmem>> -> memref<1x1024xf32, #tpu.memory_space<vmem>>
        %dma_start3A_193 = tpu.memref_squeeze %dma_start3A_192 : memref<1x1024xf32, #tpu.memory_space<vmem>> -> memref<1024xf32, #tpu.memory_space<vmem>>
        %dma_start3A_194 = arith.constant 128 : i32
        %dma_start3A_195 = tpu.memref_slice %dma_start3A_193[%dma_start3A_194] : memref<1024xf32, #tpu.memory_space<vmem>> -> memref<128xf32, #tpu.memory_space<vmem>>
        %dma_start3A_196 = arith.constant 0 : i32
        %dma_start3A_197 = arith.constant 0 : i32
        %dma_start3A_198 = tpu.memref_slice %arg16[%dma_start3A_189, %dma_start3A_196, %dma_start3A_197] : memref<2x8x128xi32, #tpu.memory_space<vmem>> -> memref<1x8x128xi32, #tpu.memory_space<vmem>>
        %dma_start3A_199 = tpu.memref_squeeze %dma_start3A_198 : memref<1x8x128xi32, #tpu.memory_space<vmem>> -> memref<8x128xi32, #tpu.memory_space<vmem>>
        %dma_start3A_200 = arith.constant 0 : i32
        %dma_start3A_201 = tpu.memref_slice %dma_start3A_199[%dma_start3A_190, %dma_start3A_200] : memref<8x128xi32, #tpu.memory_space<vmem>> -> memref<1x128xi32, #tpu.memory_space<vmem>>
        %dma_start3A_202 = tpu.memref_squeeze %dma_start3A_201 : memref<1x128xi32, #tpu.memory_space<vmem>> -> memref<128xi32, #tpu.memory_space<vmem>>
        %dma_start3A_203 = arith.constant 0 : i32
        %dma_start3A_204 = tpu.memref_slice %arg20[%dma_start3A_203] : memref<163840xf32, #tpu.memory_space<vmem_shared>> -> memref<163840xf32, #tpu.memory_space<vmem_shared>>
        tpu.enqueue_indirect_dma source(%dma_start3A_195 : memref<128xf32, #tpu.memory_space<vmem>>) target(%dma_start3A_204 : memref<163840xf32, #tpu.memory_space<vmem_shared>>) offsets(%dma_start3A_202 : memref<128xi32, #tpu.memory_space<vmem>>) semaphore(%arg28 : memref<!tpu.dma_semaphore, #tpu.memory_space<semaphore_mem>>) {add = true}
        %dma_start3A_205 = arith.constant 0 : i32
        %dma_start3A_206 = arith.constant 0 : i32
        %dma_start3A_207 = arith.constant 2 : i32
        %dma_start3A_208 = arith.constant 0 : i32
        %dma_start3A_209 = tpu.memref_slice %arg17[%dma_start3A_205, %dma_start3A_208] : memref<2x1024xf32, #tpu.memory_space<vmem>> -> memref<1x1024xf32, #tpu.memory_space<vmem>>
        %dma_start3A_210 = tpu.memref_squeeze %dma_start3A_209 : memref<1x1024xf32, #tpu.memory_space<vmem>> -> memref<1024xf32, #tpu.memory_space<vmem>>
        %dma_start3A_211 = arith.constant 256 : i32
        %dma_start3A_212 = tpu.memref_slice %dma_start3A_210[%dma_start3A_211] : memref<1024xf32, #tpu.memory_space<vmem>> -> memref<128xf32, #tpu.memory_space<vmem>>
        %dma_start3A_213 = arith.constant 0 : i32
        %dma_start3A_214 = arith.constant 0 : i32
        %dma_start3A_215 = tpu.memref_slice %arg16[%dma_start3A_206, %dma_start3A_213, %dma_start3A_214] : memref<2x8x128xi32, #tpu.memory_space<vmem>> -> memref<1x8x128xi32, #tpu.memory_space<vmem>>
        %dma_start3A_216 = tpu.memref_squeeze %dma_start3A_215 : memref<1x8x128xi32, #tpu.memory_space<vmem>> -> memref<8x128xi32, #tpu.memory_space<vmem>>
        %dma_start3A_217 = arith.constant 0 : i32
        %dma_start3A_218 = tpu.memref_slice %dma_start3A_216[%dma_start3A_207, %dma_start3A_217] : memref<8x128xi32, #tpu.memory_space<vmem>> -> memref<1x128xi32, #tpu.memory_space<vmem>>
        %dma_start3A_219 = tpu.memref_squeeze %dma_start3A_218 : memref<1x128xi32, #tpu.memory_space<vmem>> -> memref<128xi32, #tpu.memory_space<vmem>>
        %dma_start3A_220 = arith.constant 0 : i32
        %dma_start3A_221 = tpu.memref_slice %arg20[%dma_start3A_220] : memref<163840xf32, #tpu.memory_space<vmem_shared>> -> memref<163840xf32, #tpu.memory_space<vmem_shared>>
        tpu.enqueue_indirect_dma source(%dma_start3A_212 : memref<128xf32, #tpu.memory_space<vmem>>) target(%dma_start3A_221 : memref<163840xf32, #tpu.memory_space<vmem_shared>>) offsets(%dma_start3A_219 : memref<128xi32, #tpu.memory_space<vmem>>) semaphore(%arg28 : memref<!tpu.dma_semaphore, #tpu.memory_space<semaphore_mem>>) {add = true}
        %dma_start3A_222 = arith.constant 0 : i32
        %dma_start3A_223 = arith.constant 0 : i32
        %dma_start3A_224 = arith.constant 3 : i32
        %dma_start3A_225 = arith.constant 0 : i32
        %dma_start3A_226 = tpu.memref_slice %arg17[%dma_start3A_222, %dma_start3A_225] : memref<2x1024xf32, #tpu.memory_space<vmem>> -> memref<1x1024xf32, #tpu.memory_space<vmem>>
        %dma_start3A_227 = tpu.memref_squeeze %dma_start3A_226 : memref<1x1024xf32, #tpu.memory_space<vmem>> -> memref<1024xf32, #tpu.memory_space<vmem>>
        %dma_start3A_228 = arith.constant 384 : i32
        %dma_start3A_229 = tpu.memref_slice %dma_start3A_227[%dma_start3A_228] : memref<1024xf32, #tpu.memory_space<vmem>> -> memref<128xf32, #tpu.memory_space<vmem>>
        %dma_start3A_230 = arith.constant 0 : i32
        %dma_start3A_231 = arith.constant 0 : i32
        %dma_start3A_232 = tpu.memref_slice %arg16[%dma_start3A_223, %dma_start3A_230, %dma_start3A_231] : memref<2x8x128xi32, #tpu.memory_space<vmem>> -> memref<1x8x128xi32, #tpu.memory_space<vmem>>
        %dma_start3A_233 = tpu.memref_squeeze %dma_start3A_232 : memref<1x8x128xi32, #tpu.memory_space<vmem>> -> memref<8x128xi32, #tpu.memory_space<vmem>>
        %dma_start3A_234 = arith.constant 0 : i32
        %dma_start3A_235 = tpu.memref_slice %dma_start3A_233[%dma_start3A_224, %dma_start3A_234] : memref<8x128xi32, #tpu.memory_space<vmem>> -> memref<1x128xi32, #tpu.memory_space<vmem>>
        %dma_start3A_236 = tpu.memref_squeeze %dma_start3A_235 : memref<1x128xi32, #tpu.memory_space<vmem>> -> memref<128xi32, #tpu.memory_space<vmem>>
        %dma_start3A_237 = arith.constant 0 : i32
        %dma_start3A_238 = tpu.memref_slice %arg20[%dma_start3A_237] : memref<163840xf32, #tpu.memory_space<vmem_shared>> -> memref<163840xf32, #tpu.memory_space<vmem_shared>>
        tpu.enqueue_indirect_dma source(%dma_start3A_229 : memref<128xf32, #tpu.memory_space<vmem>>) target(%dma_start3A_238 : memref<163840xf32, #tpu.memory_space<vmem_shared>>) offsets(%dma_start3A_236 : memref<128xi32, #tpu.memory_space<vmem>>) semaphore(%arg28 : memref<!tpu.dma_semaphore, #tpu.memory_space<semaphore_mem>>) {add = true}
        %dma_start3A_239 = arith.constant 0 : i32
        %dma_start3A_240 = arith.constant 0 : i32
        %dma_start3A_241 = arith.constant 4 : i32
        %dma_start3A_242 = arith.constant 0 : i32
        %dma_start3A_243 = tpu.memref_slice %arg17[%dma_start3A_239, %dma_start3A_242] : memref<2x1024xf32, #tpu.memory_space<vmem>> -> memref<1x1024xf32, #tpu.memory_space<vmem>>
        %dma_start3A_244 = tpu.memref_squeeze %dma_start3A_243 : memref<1x1024xf32, #tpu.memory_space<vmem>> -> memref<1024xf32, #tpu.memory_space<vmem>>
        %dma_start3A_245 = arith.constant 512 : i32
        %dma_start3A_246 = tpu.memref_slice %dma_start3A_244[%dma_start3A_245] : memref<1024xf32, #tpu.memory_space<vmem>> -> memref<128xf32, #tpu.memory_space<vmem>>
        %dma_start3A_247 = arith.constant 0 : i32
        %dma_start3A_248 = arith.constant 0 : i32
        %dma_start3A_249 = tpu.memref_slice %arg16[%dma_start3A_240, %dma_start3A_247, %dma_start3A_248] : memref<2x8x128xi32, #tpu.memory_space<vmem>> -> memref<1x8x128xi32, #tpu.memory_space<vmem>>
        %dma_start3A_250 = tpu.memref_squeeze %dma_start3A_249 : memref<1x8x128xi32, #tpu.memory_space<vmem>> -> memref<8x128xi32, #tpu.memory_space<vmem>>
        %dma_start3A_251 = arith.constant 0 : i32
        %dma_start3A_252 = tpu.memref_slice %dma_start3A_250[%dma_start3A_241, %dma_start3A_251] : memref<8x128xi32, #tpu.memory_space<vmem>> -> memref<1x128xi32, #tpu.memory_space<vmem>>
        %dma_start3A_253 = tpu.memref_squeeze %dma_start3A_252 : memref<1x128xi32, #tpu.memory_space<vmem>> -> memref<128xi32, #tpu.memory_space<vmem>>
        %dma_start3A_254 = arith.constant 0 : i32
        %dma_start3A_255 = tpu.memref_slice %arg20[%dma_start3A_254] : memref<163840xf32, #tpu.memory_space<vmem_shared>> -> memref<163840xf32, #tpu.memory_space<vmem_shared>>
        tpu.enqueue_indirect_dma source(%dma_start3A_246 : memref<128xf32, #tpu.memory_space<vmem>>) target(%dma_start3A_255 : memref<163840xf32, #tpu.memory_space<vmem_shared>>) offsets(%dma_start3A_253 : memref<128xi32, #tpu.memory_space<vmem>>) semaphore(%arg28 : memref<!tpu.dma_semaphore, #tpu.memory_space<semaphore_mem>>) {add = true}
        %dma_start3A_256 = arith.constant 0 : i32
        %dma_start3A_257 = arith.constant 0 : i32
        %dma_start3A_258 = arith.constant 5 : i32
        %dma_start3A_259 = arith.constant 0 : i32
        %dma_start3A_260 = tpu.memref_slice %arg17[%dma_start3A_256, %dma_start3A_259] : memref<2x1024xf32, #tpu.memory_space<vmem>> -> memref<1x1024xf32, #tpu.memory_space<vmem>>
        %dma_start3A_261 = tpu.memref_squeeze %dma_start3A_260 : memref<1x1024xf32, #tpu.memory_space<vmem>> -> memref<1024xf32, #tpu.memory_space<vmem>>
        %dma_start3A_262 = arith.constant 640 : i32
        %dma_start3A_263 = tpu.memref_slice %dma_start3A_261[%dma_start3A_262] : memref<1024xf32, #tpu.memory_space<vmem>> -> memref<128xf32, #tpu.memory_space<vmem>>
        %dma_start3A_264 = arith.constant 0 : i32
        %dma_start3A_265 = arith.constant 0 : i32
        %dma_start3A_266 = tpu.memref_slice %arg16[%dma_start3A_257, %dma_start3A_264, %dma_start3A_265] : memref<2x8x128xi32, #tpu.memory_space<vmem>> -> memref<1x8x128xi32, #tpu.memory_space<vmem>>
        %dma_start3A_267 = tpu.memref_squeeze %dma_start3A_266 : memref<1x8x128xi32, #tpu.memory_space<vmem>> -> memref<8x128xi32, #tpu.memory_space<vmem>>
        %dma_start3A_268 = arith.constant 0 : i32
        %dma_start3A_269 = tpu.memref_slice %dma_start3A_267[%dma_start3A_258, %dma_start3A_268] : memref<8x128xi32, #tpu.memory_space<vmem>> -> memref<1x128xi32, #tpu.memory_space<vmem>>
        %dma_start3A_270 = tpu.memref_squeeze %dma_start3A_269 : memref<1x128xi32, #tpu.memory_space<vmem>> -> memref<128xi32, #tpu.memory_space<vmem>>
        %dma_start3A_271 = arith.constant 0 : i32
        %dma_start3A_272 = tpu.memref_slice %arg20[%dma_start3A_271] : memref<163840xf32, #tpu.memory_space<vmem_shared>> -> memref<163840xf32, #tpu.memory_space<vmem_shared>>
        tpu.enqueue_indirect_dma source(%dma_start3A_263 : memref<128xf32, #tpu.memory_space<vmem>>) target(%dma_start3A_272 : memref<163840xf32, #tpu.memory_space<vmem_shared>>) offsets(%dma_start3A_270 : memref<128xi32, #tpu.memory_space<vmem>>) semaphore(%arg28 : memref<!tpu.dma_semaphore, #tpu.memory_space<semaphore_mem>>) {add = true}
        %dma_start3A_273 = arith.constant 0 : i32
        %dma_start3A_274 = arith.constant 0 : i32
        %dma_start3A_275 = arith.constant 6 : i32
        %dma_start3A_276 = arith.constant 0 : i32
        %dma_start3A_277 = tpu.memref_slice %arg17[%dma_start3A_273, %dma_start3A_276] : memref<2x1024xf32, #tpu.memory_space<vmem>> -> memref<1x1024xf32, #tpu.memory_space<vmem>>
        %dma_start3A_278 = tpu.memref_squeeze %dma_start3A_277 : memref<1x1024xf32, #tpu.memory_space<vmem>> -> memref<1024xf32, #tpu.memory_space<vmem>>
        %dma_start3A_279 = arith.constant 768 : i32
        %dma_start3A_280 = tpu.memref_slice %dma_start3A_278[%dma_start3A_279] : memref<1024xf32, #tpu.memory_space<vmem>> -> memref<128xf32, #tpu.memory_space<vmem>>
        %dma_start3A_281 = arith.constant 0 : i32
        %dma_start3A_282 = arith.constant 0 : i32
        %dma_start3A_283 = tpu.memref_slice %arg16[%dma_start3A_274, %dma_start3A_281, %dma_start3A_282] : memref<2x8x128xi32, #tpu.memory_space<vmem>> -> memref<1x8x128xi32, #tpu.memory_space<vmem>>
        %dma_start3A_284 = tpu.memref_squeeze %dma_start3A_283 : memref<1x8x128xi32, #tpu.memory_space<vmem>> -> memref<8x128xi32, #tpu.memory_space<vmem>>
        %dma_start3A_285 = arith.constant 0 : i32
        %dma_start3A_286 = tpu.memref_slice %dma_start3A_284[%dma_start3A_275, %dma_start3A_285] : memref<8x128xi32, #tpu.memory_space<vmem>> -> memref<1x128xi32, #tpu.memory_space<vmem>>
        %dma_start3A_287 = tpu.memref_squeeze %dma_start3A_286 : memref<1x128xi32, #tpu.memory_space<vmem>> -> memref<128xi32, #tpu.memory_space<vmem>>
        %dma_start3A_288 = arith.constant 0 : i32
        %dma_start3A_289 = tpu.memref_slice %arg20[%dma_start3A_288] : memref<163840xf32, #tpu.memory_space<vmem_shared>> -> memref<163840xf32, #tpu.memory_space<vmem_shared>>
        tpu.enqueue_indirect_dma source(%dma_start3A_280 : memref<128xf32, #tpu.memory_space<vmem>>) target(%dma_start3A_289 : memref<163840xf32, #tpu.memory_space<vmem_shared>>) offsets(%dma_start3A_287 : memref<128xi32, #tpu.memory_space<vmem>>) semaphore(%arg28 : memref<!tpu.dma_semaphore, #tpu.memory_space<semaphore_mem>>) {add = true}
        %dma_start3A_290 = arith.constant 0 : i32
        %dma_start3A_291 = arith.constant 0 : i32
        %dma_start3A_292 = arith.constant 7 : i32
        %dma_start3A_293 = arith.constant 0 : i32
        %dma_start3A_294 = tpu.memref_slice %arg17[%dma_start3A_290, %dma_start3A_293] : memref<2x1024xf32, #tpu.memory_space<vmem>> -> memref<1x1024xf32, #tpu.memory_space<vmem>>
        %dma_start3A_295 = tpu.memref_squeeze %dma_start3A_294 : memref<1x1024xf32, #tpu.memory_space<vmem>> -> memref<1024xf32, #tpu.memory_space<vmem>>
        %dma_start3A_296 = arith.constant 896 : i32
        %dma_start3A_297 = tpu.memref_slice %dma_start3A_295[%dma_start3A_296] : memref<1024xf32, #tpu.memory_space<vmem>> -> memref<128xf32, #tpu.memory_space<vmem>>
        %dma_start3A_298 = arith.constant 0 : i32
        %dma_start3A_299 = arith.constant 0 : i32
        %dma_start3A_300 = tpu.memref_slice %arg16[%dma_start3A_291, %dma_start3A_298, %dma_start3A_299] : memref<2x8x128xi32, #tpu.memory_space<vmem>> -> memref<1x8x128xi32, #tpu.memory_space<vmem>>
        %dma_start3A_301 = tpu.memref_squeeze %dma_start3A_300 : memref<1x8x128xi32, #tpu.memory_space<vmem>> -> memref<8x128xi32, #tpu.memory_space<vmem>>
        %dma_start3A_302 = arith.constant 0 : i32
        %dma_start3A_303 = tpu.memref_slice %dma_start3A_301[%dma_start3A_292, %dma_start3A_302] : memref<8x128xi32, #tpu.memory_space<vmem>> -> memref<1x128xi32, #tpu.memory_space<vmem>>
        %dma_start3A_304 = tpu.memref_squeeze %dma_start3A_303 : memref<1x128xi32, #tpu.memory_space<vmem>> -> memref<128xi32, #tpu.memory_space<vmem>>
        %dma_start3A_305 = arith.constant 0 : i32
        %dma_start3A_306 = tpu.memref_slice %arg20[%dma_start3A_305] : memref<163840xf32, #tpu.memory_space<vmem_shared>> -> memref<163840xf32, #tpu.memory_space<vmem_shared>>
        tpu.enqueue_indirect_dma source(%dma_start3A_297 : memref<128xf32, #tpu.memory_space<vmem>>) target(%dma_start3A_306 : memref<163840xf32, #tpu.memory_space<vmem_shared>>) offsets(%dma_start3A_304 : memref<128xi32, #tpu.memory_space<vmem>>) semaphore(%arg28 : memref<!tpu.dma_semaphore, #tpu.memory_space<semaphore_mem>>) {add = true}
        %dma_start3A_307 = arith.constant 0 : i32
        %dma_start3A_308 = tpu.memref_slice %arg14[%add3A_119, %dma_start3A_307] : memref<32x64xi32, #tpu.memory_space<vmem>> -> memref<1x64xi32, #tpu.memory_space<vmem>>
        %dma_start3A_309 = tpu.memref_squeeze %dma_start3A_308 : memref<1x64xi32, #tpu.memory_space<vmem>> -> memref<64xi32, #tpu.memory_space<vmem>>
        %dma_start3A_310 = arith.constant 0 : i32
        %dma_start3A_311 = tpu.memref_slice %arg21[%dma_start3A_310] : memref<10240xf32, #tpu.memory_space<vmem_shared>> -> memref<10240xf32, #tpu.memory_space<vmem_shared>>
        tpu.enqueue_indirect_dma source(%arg18 : memref<64xf32, #tpu.memory_space<vmem>>) target(%dma_start3A_311 : memref<10240xf32, #tpu.memory_space<vmem_shared>>) offsets(%dma_start3A_309 : memref<64xi32, #tpu.memory_space<vmem>>) semaphore(%arg28 : memref<!tpu.dma_semaphore, #tpu.memory_space<semaphore_mem>>) {add = true}
        %gt3A = arith.constant 0 : i32
        %gt3A_312 = arith.cmpi sgt, %scan3A_64, %gt3A : i32
        %gt3A_313 = arith.constant 0 : i32
        %gt3A_314 = arith.cmpi sgt, %scan3A_115, %gt3A_313 : i32
        %or3A = arith.ori %gt3A_312, %gt3A_314 : i1
        %convert_element_type3A = arith.extui %or3A : i1 to i32
        %cond3A = arith.constant 0 : i32
        %cond3A_315 = arith.cmpi ne, %convert_element_type3A, %cond3A : i32
        scf.if %cond3A_315 {
          %dma_wait3A_548 = arith.constant 1 : i32
          %dma_wait3A_549 = arith.constant 0 : i32
          %dma_wait3A_550 = arith.constant 0 : i32
          %dma_wait3A_551 = arith.constant 0 : i32
          %dma_wait3A_552 = tpu.memref_slice %arg15[%dma_wait3A_548, %dma_wait3A_550, %dma_wait3A_551] : memref<2x64x128xf32, #tpu.memory_space<vmem>> -> memref<1x64x128xf32, #tpu.memory_space<vmem>>
          %dma_wait3A_553 = tpu.memref_squeeze %dma_wait3A_552 : memref<1x64x128xf32, #tpu.memory_space<vmem>> -> memref<64x128xf32, #tpu.memory_space<vmem>>
          %dma_wait3A_554 = arith.constant 0 : i32
          %dma_wait3A_555 = tpu.memref_slice %arg14[%dma_wait3A_549, %dma_wait3A_554] : memref<32x64xi32, #tpu.memory_space<vmem>> -> memref<1x64xi32, #tpu.memory_space<vmem>>
          %dma_wait3A_556 = tpu.memref_squeeze %dma_wait3A_555 : memref<1x64xi32, #tpu.memory_space<vmem>> -> memref<64xi32, #tpu.memory_space<vmem>>
          %dma_wait3A_557 = arith.constant 0 : i32
          %dma_wait3A_558 = arith.constant 0 : i32
          %dma_wait3A_559 = tpu.memref_slice %arg19[%dma_wait3A_557, %dma_wait3A_558] : memref<10240x128xf32, #tpu.memory_space<vmem_shared>> -> memref<10240x128xf32, #tpu.memory_space<vmem_shared>>
          tpu.wait_indirect_dma semaphore(%arg29 : memref<!tpu.dma_semaphore, #tpu.memory_space<semaphore_mem>>) src(%dma_wait3A_553 : memref<64x128xf32, #tpu.memory_space<vmem>>) dst(%dma_wait3A_559 : memref<10240x128xf32, #tpu.memory_space<vmem_shared>>)
          %dma_wait3A_560 = arith.constant 1 : i32
          %dma_wait3A_561 = arith.constant 0 : i32
          %dma_wait3A_562 = tpu.memref_slice %arg17[%dma_wait3A_560, %dma_wait3A_561] : memref<2x1024xf32, #tpu.memory_space<vmem>> -> memref<1x1024xf32, #tpu.memory_space<vmem>>
          %dma_wait3A_563 = tpu.memref_squeeze %dma_wait3A_562 : memref<1x1024xf32, #tpu.memory_space<vmem>> -> memref<1024xf32, #tpu.memory_space<vmem>>
          %dma_wait3A_564 = arith.constant 0 : i32
          %dma_wait3A_565 = tpu.memref_slice %arg20[%dma_wait3A_564] : memref<163840xf32, #tpu.memory_space<vmem_shared>> -> memref<1024xf32, #tpu.memory_space<vmem_shared>>
          %dma_wait3A_566 = arith.constant 0 : i32
          %dma_wait3A_567 = tpu.memref_slice %arg20[%dma_wait3A_566] : memref<163840xf32, #tpu.memory_space<vmem_shared>> -> memref<1024xf32, #tpu.memory_space<vmem_shared>>
          %dma_wait3A_568 = arith.constant 0 : i32
          %dma_wait3A_569 = tpu.memref_slice %arg17[%dma_wait3A_560, %dma_wait3A_568] : memref<2x1024xf32, #tpu.memory_space<vmem>> -> memref<1x1024xf32, #tpu.memory_space<vmem>>
          %dma_wait3A_570 = tpu.memref_squeeze %dma_wait3A_569 : memref<1x1024xf32, #tpu.memory_space<vmem>> -> memref<1024xf32, #tpu.memory_space<vmem>>
          tpu.wait_dma2 semaphore(%arg29 : memref<!tpu.dma_semaphore, #tpu.memory_space<semaphore_mem>>) src(%dma_wait3A_570 : memref<1024xf32, #tpu.memory_space<vmem>>) dst(%dma_wait3A_567 : memref<1024xf32, #tpu.memory_space<vmem_shared>>)
          %dma_wait3A_571 = arith.constant 0 : i32
          %dma_wait3A_572 = tpu.memref_slice %arg21[%dma_wait3A_571] : memref<10240xf32, #tpu.memory_space<vmem_shared>> -> memref<64xf32, #tpu.memory_space<vmem_shared>>
          %dma_wait3A_573 = arith.constant 0 : i32
          %dma_wait3A_574 = tpu.memref_slice %arg21[%dma_wait3A_573] : memref<10240xf32, #tpu.memory_space<vmem_shared>> -> memref<64xf32, #tpu.memory_space<vmem_shared>>
          tpu.wait_dma2 semaphore(%arg29 : memref<!tpu.dma_semaphore, #tpu.memory_space<semaphore_mem>>) src(%arg18 : memref<64xf32, #tpu.memory_space<vmem>>) dst(%dma_wait3A_574 : memref<64xf32, #tpu.memory_space<vmem_shared>>)
        } else {
        }
        %lt3A = arith.constant 31 : i32
        %lt3A_316 = arith.cmpi slt, %add3A_119, %lt3A : i32
        %convert_element_type3A_317 = arith.extui %lt3A_316 : i1 to i32
        %cond3A_318 = arith.constant 0 : i32
        %cond3A_319 = arith.cmpi ne, %convert_element_type3A_317, %cond3A_318 : i32
        scf.if %cond3A_319 {
          %add3A_548 = arith.constant 1 : i32
          %add3A_549 = arith.addi %add3A_119, %add3A_548 : i32
          %add3A_550 = arith.addi %add3A_67, %add3A_549 : i32
          %mul3A_551 = arith.constant 8 : i32
          %mul3A_552 = arith.muli %add3A_550, %mul3A_551 : i32
          %mul3A_553 = arith.constant 64 : i32
          %mul3A_554 = arith.muli %add3A_550, %mul3A_553 : i32
          %mul3A_555 = arith.constant 16 : i32
          %mul3A_556 = arith.muli %mul3A_554, %mul3A_555 : i32
          %dma_start3A_557 = arith.constant 1 : i32
          %dma_start3A_558 = arith.constant 0 : i32
          %dma_start3A_559 = arith.constant 0 : i32
          %dma_start3A_560 = tpu.memref_slice %arg15[%dma_start3A_557, %dma_start3A_558, %dma_start3A_559] : memref<2x64x128xf32, #tpu.memory_space<vmem>> -> memref<1x64x128xf32, #tpu.memory_space<vmem>>
          %dma_start3A_561 = tpu.memref_squeeze %dma_start3A_560 : memref<1x64x128xf32, #tpu.memory_space<vmem>> -> memref<64x128xf32, #tpu.memory_space<vmem>>
          %dma_start3A_562 = arith.constant 0 : i32
          %dma_start3A_563 = tpu.memref_slice %arg13[%add3A_549, %dma_start3A_562] : memref<32x64xi32, #tpu.memory_space<vmem>> -> memref<1x64xi32, #tpu.memory_space<vmem>>
          %dma_start3A_564 = tpu.memref_squeeze %dma_start3A_563 : memref<1x64xi32, #tpu.memory_space<vmem>> -> memref<64xi32, #tpu.memory_space<vmem>>
          %dma_start3A_565 = arith.constant 0 : i32
          %dma_start3A_566 = arith.constant 0 : i32
          %dma_start3A_567 = tpu.memref_slice %arg2[%dma_start3A_565, %dma_start3A_566] : memref<10000x128xf32, #tpu.memory_space<hbm>> -> memref<10000x128xf32, #tpu.memory_space<hbm>>
          tpu.enqueue_indirect_dma source(%dma_start3A_567 : memref<10000x128xf32, #tpu.memory_space<hbm>>) target(%dma_start3A_561 : memref<64x128xf32, #tpu.memory_space<vmem>>) offsets(%dma_start3A_564 : memref<64xi32, #tpu.memory_space<vmem>>) semaphore(%arg23 : memref<!tpu.dma_semaphore, #tpu.memory_space<semaphore_mem>>)
          %dma_start3A_568 = arith.constant 1 : i32
          %dma_start3A_569 = arith.constant 0 : i32
          %dma_start3A_570 = arith.constant 0 : i32
          %dma_start3A_571 = tpu.memref_slice %arg16[%dma_start3A_568, %dma_start3A_569, %dma_start3A_570] : memref<2x8x128xi32, #tpu.memory_space<vmem>> -> memref<1x8x128xi32, #tpu.memory_space<vmem>>
          %dma_start3A_572 = tpu.memref_squeeze %dma_start3A_571 : memref<1x8x128xi32, #tpu.memory_space<vmem>> -> memref<8x128xi32, #tpu.memory_space<vmem>>
          %dma_start3A_573 = arith.constant 0 : i32
          %dma_start3A_574 = tpu.memref_slice %arg5[%mul3A_552, %dma_start3A_573] : memref<40960x128xi32, #tpu.memory_space<hbm>> -> memref<8x128xi32, #tpu.memory_space<hbm>>
          %dma_start3A_575 = arith.constant 0 : i32
          %dma_start3A_576 = arith.constant 0 : i32
          %dma_start3A_577 = tpu.memref_slice %arg16[%dma_start3A_568, %dma_start3A_575, %dma_start3A_576] : memref<2x8x128xi32, #tpu.memory_space<vmem>> -> memref<1x8x128xi32, #tpu.memory_space<vmem>>
          %dma_start3A_578 = tpu.memref_squeeze %dma_start3A_577 : memref<1x8x128xi32, #tpu.memory_space<vmem>> -> memref<8x128xi32, #tpu.memory_space<vmem>>
          %dma_start3A_579 = arith.constant 0 : i32
          %dma_start3A_580 = tpu.memref_slice %arg5[%mul3A_552, %dma_start3A_579] : memref<40960x128xi32, #tpu.memory_space<hbm>> -> memref<8x128xi32, #tpu.memory_space<hbm>>
          tpu.enqueue_dma source(%dma_start3A_580 : memref<8x128xi32, #tpu.memory_space<hbm>>) target(%dma_start3A_578 : memref<8x128xi32, #tpu.memory_space<vmem>>) target_semaphore(%arg25 : memref<!tpu.dma_semaphore, #tpu.memory_space<semaphore_mem>>)
          %dma_start3A_581 = arith.constant 1 : i32
          %dma_start3A_582 = arith.constant 0 : i32
          %dma_start3A_583 = tpu.memref_slice %arg17[%dma_start3A_581, %dma_start3A_582] : memref<2x1024xf32, #tpu.memory_space<vmem>> -> memref<1x1024xf32, #tpu.memory_space<vmem>>
          %dma_start3A_584 = tpu.memref_squeeze %dma_start3A_583 : memref<1x1024xf32, #tpu.memory_space<vmem>> -> memref<1024xf32, #tpu.memory_space<vmem>>
          %dma_start3A_585 = tpu.memref_slice %arg6[%mul3A_556] : memref<5242880xf32, #tpu.memory_space<hbm>> -> memref<1024xf32, #tpu.memory_space<hbm>>
          %dma_start3A_586 = arith.constant 0 : i32
          %dma_start3A_587 = tpu.memref_slice %arg17[%dma_start3A_581, %dma_start3A_586] : memref<2x1024xf32, #tpu.memory_space<vmem>> -> memref<1x1024xf32, #tpu.memory_space<vmem>>
          %dma_start3A_588 = tpu.memref_squeeze %dma_start3A_587 : memref<1x1024xf32, #tpu.memory_space<vmem>> -> memref<1024xf32, #tpu.memory_space<vmem>>
          %dma_start3A_589 = tpu.memref_slice %arg6[%mul3A_556] : memref<5242880xf32, #tpu.memory_space<hbm>> -> memref<1024xf32, #tpu.memory_space<hbm>>
          tpu.enqueue_dma source(%dma_start3A_589 : memref<1024xf32, #tpu.memory_space<hbm>>) target(%dma_start3A_588 : memref<1024xf32, #tpu.memory_space<vmem>>) target_semaphore(%arg27 : memref<!tpu.dma_semaphore, #tpu.memory_space<semaphore_mem>>)
        } else {
        }
        %mul3A_320 = arith.constant 2 : i32
        %mul3A_321 = arith.muli %mul3A_320, %scan3A_115 : i32
        %add3A_322 = arith.constant 1 : i32
        %add3A_323 = arith.addi %mul3A_321, %add3A_322 : i32
        %add3A_324 = arith.addi %add3A_67, %add3A_323 : i32
        %mul3A_325 = arith.constant 8 : i32
        %mul3A_326 = arith.muli %add3A_324, %mul3A_325 : i32
        %mul3A_327 = arith.constant 64 : i32
        %mul3A_328 = arith.muli %add3A_324, %mul3A_327 : i32
        %mul3A_329 = arith.constant 16 : i32
        %mul3A_330 = arith.muli %mul3A_328, %mul3A_329 : i32
        %dma_wait3A_331 = arith.constant 1 : i32
        %dma_wait3A_332 = arith.constant 0 : i32
        %dma_wait3A_333 = arith.constant 0 : i32
        %dma_wait3A_334 = tpu.memref_slice %arg15[%dma_wait3A_331, %dma_wait3A_332, %dma_wait3A_333] : memref<2x64x128xf32, #tpu.memory_space<vmem>> -> memref<1x64x128xf32, #tpu.memory_space<vmem>>
        %dma_wait3A_335 = tpu.memref_squeeze %dma_wait3A_334 : memref<1x64x128xf32, #tpu.memory_space<vmem>> -> memref<64x128xf32, #tpu.memory_space<vmem>>
        %dma_wait3A_336 = arith.constant 0 : i32
        %dma_wait3A_337 = tpu.memref_slice %arg13[%add3A_323, %dma_wait3A_336] : memref<32x64xi32, #tpu.memory_space<vmem>> -> memref<1x64xi32, #tpu.memory_space<vmem>>
        %dma_wait3A_338 = tpu.memref_squeeze %dma_wait3A_337 : memref<1x64xi32, #tpu.memory_space<vmem>> -> memref<64xi32, #tpu.memory_space<vmem>>
        %dma_wait3A_339 = arith.constant 0 : i32
        %dma_wait3A_340 = arith.constant 0 : i32
        %dma_wait3A_341 = tpu.memref_slice %arg2[%dma_wait3A_339, %dma_wait3A_340] : memref<10000x128xf32, #tpu.memory_space<hbm>> -> memref<10000x128xf32, #tpu.memory_space<hbm>>
        tpu.wait_indirect_dma semaphore(%arg23 : memref<!tpu.dma_semaphore, #tpu.memory_space<semaphore_mem>>) src(%dma_wait3A_341 : memref<10000x128xf32, #tpu.memory_space<hbm>>) dst(%dma_wait3A_335 : memref<64x128xf32, #tpu.memory_space<vmem>>)
        %dma_wait3A_342 = arith.constant 1 : i32
        %dma_wait3A_343 = arith.constant 0 : i32
        %dma_wait3A_344 = arith.constant 0 : i32
        %dma_wait3A_345 = tpu.memref_slice %arg16[%dma_wait3A_342, %dma_wait3A_343, %dma_wait3A_344] : memref<2x8x128xi32, #tpu.memory_space<vmem>> -> memref<1x8x128xi32, #tpu.memory_space<vmem>>
        %dma_wait3A_346 = tpu.memref_squeeze %dma_wait3A_345 : memref<1x8x128xi32, #tpu.memory_space<vmem>> -> memref<8x128xi32, #tpu.memory_space<vmem>>
        %dma_wait3A_347 = arith.constant 0 : i32
        %dma_wait3A_348 = tpu.memref_slice %arg5[%mul3A_326, %dma_wait3A_347] : memref<40960x128xi32, #tpu.memory_space<hbm>> -> memref<8x128xi32, #tpu.memory_space<hbm>>
        %dma_wait3A_349 = arith.constant 0 : i32
        %dma_wait3A_350 = arith.constant 0 : i32
        %dma_wait3A_351 = tpu.memref_slice %arg16[%dma_wait3A_342, %dma_wait3A_349, %dma_wait3A_350] : memref<2x8x128xi32, #tpu.memory_space<vmem>> -> memref<1x8x128xi32, #tpu.memory_space<vmem>>
        %dma_wait3A_352 = tpu.memref_squeeze %dma_wait3A_351 : memref<1x8x128xi32, #tpu.memory_space<vmem>> -> memref<8x128xi32, #tpu.memory_space<vmem>>
        %dma_wait3A_353 = arith.constant 0 : i32
        %dma_wait3A_354 = tpu.memref_slice %arg5[%mul3A_326, %dma_wait3A_353] : memref<40960x128xi32, #tpu.memory_space<hbm>> -> memref<8x128xi32, #tpu.memory_space<hbm>>
        tpu.wait_dma2 semaphore(%arg25 : memref<!tpu.dma_semaphore, #tpu.memory_space<semaphore_mem>>) src(%dma_wait3A_354 : memref<8x128xi32, #tpu.memory_space<hbm>>) dst(%dma_wait3A_352 : memref<8x128xi32, #tpu.memory_space<vmem>>)
        %dma_wait3A_355 = arith.constant 1 : i32
        %dma_wait3A_356 = arith.constant 0 : i32
        %dma_wait3A_357 = tpu.memref_slice %arg17[%dma_wait3A_355, %dma_wait3A_356] : memref<2x1024xf32, #tpu.memory_space<vmem>> -> memref<1x1024xf32, #tpu.memory_space<vmem>>
        %dma_wait3A_358 = tpu.memref_squeeze %dma_wait3A_357 : memref<1x1024xf32, #tpu.memory_space<vmem>> -> memref<1024xf32, #tpu.memory_space<vmem>>
        %dma_wait3A_359 = tpu.memref_slice %arg6[%mul3A_330] : memref<5242880xf32, #tpu.memory_space<hbm>> -> memref<1024xf32, #tpu.memory_space<hbm>>
        %dma_wait3A_360 = arith.constant 0 : i32
        %dma_wait3A_361 = tpu.memref_slice %arg17[%dma_wait3A_355, %dma_wait3A_360] : memref<2x1024xf32, #tpu.memory_space<vmem>> -> memref<1x1024xf32, #tpu.memory_space<vmem>>
        %dma_wait3A_362 = tpu.memref_squeeze %dma_wait3A_361 : memref<1x1024xf32, #tpu.memory_space<vmem>> -> memref<1024xf32, #tpu.memory_space<vmem>>
        %dma_wait3A_363 = tpu.memref_slice %arg6[%mul3A_330] : memref<5242880xf32, #tpu.memory_space<hbm>> -> memref<1024xf32, #tpu.memory_space<hbm>>
        tpu.wait_dma2 semaphore(%arg27 : memref<!tpu.dma_semaphore, #tpu.memory_space<semaphore_mem>>) src(%dma_wait3A_363 : memref<1024xf32, #tpu.memory_space<hbm>>) dst(%dma_wait3A_362 : memref<1024xf32, #tpu.memory_space<vmem>>)
        %dma_start3A_364 = arith.constant 1 : i32
        %dma_start3A_365 = arith.constant 0 : i32
        %dma_start3A_366 = arith.constant 0 : i32
        %dma_start3A_367 = tpu.memref_slice %arg15[%dma_start3A_364, %dma_start3A_365, %dma_start3A_366] : memref<2x64x128xf32, #tpu.memory_space<vmem>> -> memref<1x64x128xf32, #tpu.memory_space<vmem>>
        %dma_start3A_368 = tpu.memref_squeeze %dma_start3A_367 : memref<1x64x128xf32, #tpu.memory_space<vmem>> -> memref<64x128xf32, #tpu.memory_space<vmem>>
        %dma_start3A_369 = arith.constant 0 : i32
        %dma_start3A_370 = tpu.memref_slice %arg14[%add3A_323, %dma_start3A_369] : memref<32x64xi32, #tpu.memory_space<vmem>> -> memref<1x64xi32, #tpu.memory_space<vmem>>
        %dma_start3A_371 = tpu.memref_squeeze %dma_start3A_370 : memref<1x64xi32, #tpu.memory_space<vmem>> -> memref<64xi32, #tpu.memory_space<vmem>>
        %dma_start3A_372 = arith.constant 0 : i32
        %dma_start3A_373 = arith.constant 0 : i32
        %dma_start3A_374 = tpu.memref_slice %arg19[%dma_start3A_372, %dma_start3A_373] : memref<10240x128xf32, #tpu.memory_space<vmem_shared>> -> memref<10240x128xf32, #tpu.memory_space<vmem_shared>>
        tpu.enqueue_indirect_dma source(%dma_start3A_368 : memref<64x128xf32, #tpu.memory_space<vmem>>) target(%dma_start3A_374 : memref<10240x128xf32, #tpu.memory_space<vmem_shared>>) offsets(%dma_start3A_371 : memref<64xi32, #tpu.memory_space<vmem>>) semaphore(%arg29 : memref<!tpu.dma_semaphore, #tpu.memory_space<semaphore_mem>>) {add = true}
        %dma_start3A_375 = arith.constant 1 : i32
        %dma_start3A_376 = arith.constant 1 : i32
        %dma_start3A_377 = arith.constant 0 : i32
        %dma_start3A_378 = arith.constant 0 : i32
        %dma_start3A_379 = tpu.memref_slice %arg17[%dma_start3A_375, %dma_start3A_378] : memref<2x1024xf32, #tpu.memory_space<vmem>> -> memref<1x1024xf32, #tpu.memory_space<vmem>>
        %dma_start3A_380 = tpu.memref_squeeze %dma_start3A_379 : memref<1x1024xf32, #tpu.memory_space<vmem>> -> memref<1024xf32, #tpu.memory_space<vmem>>
        %dma_start3A_381 = arith.constant 0 : i32
        %dma_start3A_382 = tpu.memref_slice %dma_start3A_380[%dma_start3A_381] : memref<1024xf32, #tpu.memory_space<vmem>> -> memref<128xf32, #tpu.memory_space<vmem>>
        %dma_start3A_383 = arith.constant 0 : i32
        %dma_start3A_384 = arith.constant 0 : i32
        %dma_start3A_385 = tpu.memref_slice %arg16[%dma_start3A_376, %dma_start3A_383, %dma_start3A_384] : memref<2x8x128xi32, #tpu.memory_space<vmem>> -> memref<1x8x128xi32, #tpu.memory_space<vmem>>
        %dma_start3A_386 = tpu.memref_squeeze %dma_start3A_385 : memref<1x8x128xi32, #tpu.memory_space<vmem>> -> memref<8x128xi32, #tpu.memory_space<vmem>>
        %dma_start3A_387 = arith.constant 0 : i32
        %dma_start3A_388 = tpu.memref_slice %dma_start3A_386[%dma_start3A_377, %dma_start3A_387] : memref<8x128xi32, #tpu.memory_space<vmem>> -> memref<1x128xi32, #tpu.memory_space<vmem>>
        %dma_start3A_389 = tpu.memref_squeeze %dma_start3A_388 : memref<1x128xi32, #tpu.memory_space<vmem>> -> memref<128xi32, #tpu.memory_space<vmem>>
        %dma_start3A_390 = arith.constant 0 : i32
        %dma_start3A_391 = tpu.memref_slice %arg20[%dma_start3A_390] : memref<163840xf32, #tpu.memory_space<vmem_shared>> -> memref<163840xf32, #tpu.memory_space<vmem_shared>>
        tpu.enqueue_indirect_dma source(%dma_start3A_382 : memref<128xf32, #tpu.memory_space<vmem>>) target(%dma_start3A_391 : memref<163840xf32, #tpu.memory_space<vmem_shared>>) offsets(%dma_start3A_389 : memref<128xi32, #tpu.memory_space<vmem>>) semaphore(%arg29 : memref<!tpu.dma_semaphore, #tpu.memory_space<semaphore_mem>>) {add = true}
        %dma_start3A_392 = arith.constant 1 : i32
        %dma_start3A_393 = arith.constant 1 : i32
        %dma_start3A_394 = arith.constant 1 : i32
        %dma_start3A_395 = arith.constant 0 : i32
        %dma_start3A_396 = tpu.memref_slice %arg17[%dma_start3A_392, %dma_start3A_395] : memref<2x1024xf32, #tpu.memory_space<vmem>> -> memref<1x1024xf32, #tpu.memory_space<vmem>>
        %dma_start3A_397 = tpu.memref_squeeze %dma_start3A_396 : memref<1x1024xf32, #tpu.memory_space<vmem>> -> memref<1024xf32, #tpu.memory_space<vmem>>
        %dma_start3A_398 = arith.constant 128 : i32
        %dma_start3A_399 = tpu.memref_slice %dma_start3A_397[%dma_start3A_398] : memref<1024xf32, #tpu.memory_space<vmem>> -> memref<128xf32, #tpu.memory_space<vmem>>
        %dma_start3A_400 = arith.constant 0 : i32
        %dma_start3A_401 = arith.constant 0 : i32
        %dma_start3A_402 = tpu.memref_slice %arg16[%dma_start3A_393, %dma_start3A_400, %dma_start3A_401] : memref<2x8x128xi32, #tpu.memory_space<vmem>> -> memref<1x8x128xi32, #tpu.memory_space<vmem>>
        %dma_start3A_403 = tpu.memref_squeeze %dma_start3A_402 : memref<1x8x128xi32, #tpu.memory_space<vmem>> -> memref<8x128xi32, #tpu.memory_space<vmem>>
        %dma_start3A_404 = arith.constant 0 : i32
        %dma_start3A_405 = tpu.memref_slice %dma_start3A_403[%dma_start3A_394, %dma_start3A_404] : memref<8x128xi32, #tpu.memory_space<vmem>> -> memref<1x128xi32, #tpu.memory_space<vmem>>
        %dma_start3A_406 = tpu.memref_squeeze %dma_start3A_405 : memref<1x128xi32, #tpu.memory_space<vmem>> -> memref<128xi32, #tpu.memory_space<vmem>>
        %dma_start3A_407 = arith.constant 0 : i32
        %dma_start3A_408 = tpu.memref_slice %arg20[%dma_start3A_407] : memref<163840xf32, #tpu.memory_space<vmem_shared>> -> memref<163840xf32, #tpu.memory_space<vmem_shared>>
        tpu.enqueue_indirect_dma source(%dma_start3A_399 : memref<128xf32, #tpu.memory_space<vmem>>) target(%dma_start3A_408 : memref<163840xf32, #tpu.memory_space<vmem_shared>>) offsets(%dma_start3A_406 : memref<128xi32, #tpu.memory_space<vmem>>) semaphore(%arg29 : memref<!tpu.dma_semaphore, #tpu.memory_space<semaphore_mem>>) {add = true}
        %dma_start3A_409 = arith.constant 1 : i32
        %dma_start3A_410 = arith.constant 1 : i32
        %dma_start3A_411 = arith.constant 2 : i32
        %dma_start3A_412 = arith.constant 0 : i32
        %dma_start3A_413 = tpu.memref_slice %arg17[%dma_start3A_409, %dma_start3A_412] : memref<2x1024xf32, #tpu.memory_space<vmem>> -> memref<1x1024xf32, #tpu.memory_space<vmem>>
        %dma_start3A_414 = tpu.memref_squeeze %dma_start3A_413 : memref<1x1024xf32, #tpu.memory_space<vmem>> -> memref<1024xf32, #tpu.memory_space<vmem>>
        %dma_start3A_415 = arith.constant 256 : i32
        %dma_start3A_416 = tpu.memref_slice %dma_start3A_414[%dma_start3A_415] : memref<1024xf32, #tpu.memory_space<vmem>> -> memref<128xf32, #tpu.memory_space<vmem>>
        %dma_start3A_417 = arith.constant 0 : i32
        %dma_start3A_418 = arith.constant 0 : i32
        %dma_start3A_419 = tpu.memref_slice %arg16[%dma_start3A_410, %dma_start3A_417, %dma_start3A_418] : memref<2x8x128xi32, #tpu.memory_space<vmem>> -> memref<1x8x128xi32, #tpu.memory_space<vmem>>
        %dma_start3A_420 = tpu.memref_squeeze %dma_start3A_419 : memref<1x8x128xi32, #tpu.memory_space<vmem>> -> memref<8x128xi32, #tpu.memory_space<vmem>>
        %dma_start3A_421 = arith.constant 0 : i32
        %dma_start3A_422 = tpu.memref_slice %dma_start3A_420[%dma_start3A_411, %dma_start3A_421] : memref<8x128xi32, #tpu.memory_space<vmem>> -> memref<1x128xi32, #tpu.memory_space<vmem>>
        %dma_start3A_423 = tpu.memref_squeeze %dma_start3A_422 : memref<1x128xi32, #tpu.memory_space<vmem>> -> memref<128xi32, #tpu.memory_space<vmem>>
        %dma_start3A_424 = arith.constant 0 : i32
        %dma_start3A_425 = tpu.memref_slice %arg20[%dma_start3A_424] : memref<163840xf32, #tpu.memory_space<vmem_shared>> -> memref<163840xf32, #tpu.memory_space<vmem_shared>>
        tpu.enqueue_indirect_dma source(%dma_start3A_416 : memref<128xf32, #tpu.memory_space<vmem>>) target(%dma_start3A_425 : memref<163840xf32, #tpu.memory_space<vmem_shared>>) offsets(%dma_start3A_423 : memref<128xi32, #tpu.memory_space<vmem>>) semaphore(%arg29 : memref<!tpu.dma_semaphore, #tpu.memory_space<semaphore_mem>>) {add = true}
        %dma_start3A_426 = arith.constant 1 : i32
        %dma_start3A_427 = arith.constant 1 : i32
        %dma_start3A_428 = arith.constant 3 : i32
        %dma_start3A_429 = arith.constant 0 : i32
        %dma_start3A_430 = tpu.memref_slice %arg17[%dma_start3A_426, %dma_start3A_429] : memref<2x1024xf32, #tpu.memory_space<vmem>> -> memref<1x1024xf32, #tpu.memory_space<vmem>>
        %dma_start3A_431 = tpu.memref_squeeze %dma_start3A_430 : memref<1x1024xf32, #tpu.memory_space<vmem>> -> memref<1024xf32, #tpu.memory_space<vmem>>
        %dma_start3A_432 = arith.constant 384 : i32
        %dma_start3A_433 = tpu.memref_slice %dma_start3A_431[%dma_start3A_432] : memref<1024xf32, #tpu.memory_space<vmem>> -> memref<128xf32, #tpu.memory_space<vmem>>
        %dma_start3A_434 = arith.constant 0 : i32
        %dma_start3A_435 = arith.constant 0 : i32
        %dma_start3A_436 = tpu.memref_slice %arg16[%dma_start3A_427, %dma_start3A_434, %dma_start3A_435] : memref<2x8x128xi32, #tpu.memory_space<vmem>> -> memref<1x8x128xi32, #tpu.memory_space<vmem>>
        %dma_start3A_437 = tpu.memref_squeeze %dma_start3A_436 : memref<1x8x128xi32, #tpu.memory_space<vmem>> -> memref<8x128xi32, #tpu.memory_space<vmem>>
        %dma_start3A_438 = arith.constant 0 : i32
        %dma_start3A_439 = tpu.memref_slice %dma_start3A_437[%dma_start3A_428, %dma_start3A_438] : memref<8x128xi32, #tpu.memory_space<vmem>> -> memref<1x128xi32, #tpu.memory_space<vmem>>
        %dma_start3A_440 = tpu.memref_squeeze %dma_start3A_439 : memref<1x128xi32, #tpu.memory_space<vmem>> -> memref<128xi32, #tpu.memory_space<vmem>>
        %dma_start3A_441 = arith.constant 0 : i32
        %dma_start3A_442 = tpu.memref_slice %arg20[%dma_start3A_441] : memref<163840xf32, #tpu.memory_space<vmem_shared>> -> memref<163840xf32, #tpu.memory_space<vmem_shared>>
        tpu.enqueue_indirect_dma source(%dma_start3A_433 : memref<128xf32, #tpu.memory_space<vmem>>) target(%dma_start3A_442 : memref<163840xf32, #tpu.memory_space<vmem_shared>>) offsets(%dma_start3A_440 : memref<128xi32, #tpu.memory_space<vmem>>) semaphore(%arg29 : memref<!tpu.dma_semaphore, #tpu.memory_space<semaphore_mem>>) {add = true}
        %dma_start3A_443 = arith.constant 1 : i32
        %dma_start3A_444 = arith.constant 1 : i32
        %dma_start3A_445 = arith.constant 4 : i32
        %dma_start3A_446 = arith.constant 0 : i32
        %dma_start3A_447 = tpu.memref_slice %arg17[%dma_start3A_443, %dma_start3A_446] : memref<2x1024xf32, #tpu.memory_space<vmem>> -> memref<1x1024xf32, #tpu.memory_space<vmem>>
        %dma_start3A_448 = tpu.memref_squeeze %dma_start3A_447 : memref<1x1024xf32, #tpu.memory_space<vmem>> -> memref<1024xf32, #tpu.memory_space<vmem>>
        %dma_start3A_449 = arith.constant 512 : i32
        %dma_start3A_450 = tpu.memref_slice %dma_start3A_448[%dma_start3A_449] : memref<1024xf32, #tpu.memory_space<vmem>> -> memref<128xf32, #tpu.memory_space<vmem>>
        %dma_start3A_451 = arith.constant 0 : i32
        %dma_start3A_452 = arith.constant 0 : i32
        %dma_start3A_453 = tpu.memref_slice %arg16[%dma_start3A_444, %dma_start3A_451, %dma_start3A_452] : memref<2x8x128xi32, #tpu.memory_space<vmem>> -> memref<1x8x128xi32, #tpu.memory_space<vmem>>
        %dma_start3A_454 = tpu.memref_squeeze %dma_start3A_453 : memref<1x8x128xi32, #tpu.memory_space<vmem>> -> memref<8x128xi32, #tpu.memory_space<vmem>>
        %dma_start3A_455 = arith.constant 0 : i32
        %dma_start3A_456 = tpu.memref_slice %dma_start3A_454[%dma_start3A_445, %dma_start3A_455] : memref<8x128xi32, #tpu.memory_space<vmem>> -> memref<1x128xi32, #tpu.memory_space<vmem>>
        %dma_start3A_457 = tpu.memref_squeeze %dma_start3A_456 : memref<1x128xi32, #tpu.memory_space<vmem>> -> memref<128xi32, #tpu.memory_space<vmem>>
        %dma_start3A_458 = arith.constant 0 : i32
        %dma_start3A_459 = tpu.memref_slice %arg20[%dma_start3A_458] : memref<163840xf32, #tpu.memory_space<vmem_shared>> -> memref<163840xf32, #tpu.memory_space<vmem_shared>>
        tpu.enqueue_indirect_dma source(%dma_start3A_450 : memref<128xf32, #tpu.memory_space<vmem>>) target(%dma_start3A_459 : memref<163840xf32, #tpu.memory_space<vmem_shared>>) offsets(%dma_start3A_457 : memref<128xi32, #tpu.memory_space<vmem>>) semaphore(%arg29 : memref<!tpu.dma_semaphore, #tpu.memory_space<semaphore_mem>>) {add = true}
        %dma_start3A_460 = arith.constant 1 : i32
        %dma_start3A_461 = arith.constant 1 : i32
        %dma_start3A_462 = arith.constant 5 : i32
        %dma_start3A_463 = arith.constant 0 : i32
        %dma_start3A_464 = tpu.memref_slice %arg17[%dma_start3A_460, %dma_start3A_463] : memref<2x1024xf32, #tpu.memory_space<vmem>> -> memref<1x1024xf32, #tpu.memory_space<vmem>>
        %dma_start3A_465 = tpu.memref_squeeze %dma_start3A_464 : memref<1x1024xf32, #tpu.memory_space<vmem>> -> memref<1024xf32, #tpu.memory_space<vmem>>
        %dma_start3A_466 = arith.constant 640 : i32
        %dma_start3A_467 = tpu.memref_slice %dma_start3A_465[%dma_start3A_466] : memref<1024xf32, #tpu.memory_space<vmem>> -> memref<128xf32, #tpu.memory_space<vmem>>
        %dma_start3A_468 = arith.constant 0 : i32
        %dma_start3A_469 = arith.constant 0 : i32
        %dma_start3A_470 = tpu.memref_slice %arg16[%dma_start3A_461, %dma_start3A_468, %dma_start3A_469] : memref<2x8x128xi32, #tpu.memory_space<vmem>> -> memref<1x8x128xi32, #tpu.memory_space<vmem>>
        %dma_start3A_471 = tpu.memref_squeeze %dma_start3A_470 : memref<1x8x128xi32, #tpu.memory_space<vmem>> -> memref<8x128xi32, #tpu.memory_space<vmem>>
        %dma_start3A_472 = arith.constant 0 : i32
        %dma_start3A_473 = tpu.memref_slice %dma_start3A_471[%dma_start3A_462, %dma_start3A_472] : memref<8x128xi32, #tpu.memory_space<vmem>> -> memref<1x128xi32, #tpu.memory_space<vmem>>
        %dma_start3A_474 = tpu.memref_squeeze %dma_start3A_473 : memref<1x128xi32, #tpu.memory_space<vmem>> -> memref<128xi32, #tpu.memory_space<vmem>>
        %dma_start3A_475 = arith.constant 0 : i32
        %dma_start3A_476 = tpu.memref_slice %arg20[%dma_start3A_475] : memref<163840xf32, #tpu.memory_space<vmem_shared>> -> memref<163840xf32, #tpu.memory_space<vmem_shared>>
        tpu.enqueue_indirect_dma source(%dma_start3A_467 : memref<128xf32, #tpu.memory_space<vmem>>) target(%dma_start3A_476 : memref<163840xf32, #tpu.memory_space<vmem_shared>>) offsets(%dma_start3A_474 : memref<128xi32, #tpu.memory_space<vmem>>) semaphore(%arg29 : memref<!tpu.dma_semaphore, #tpu.memory_space<semaphore_mem>>) {add = true}
        %dma_start3A_477 = arith.constant 1 : i32
        %dma_start3A_478 = arith.constant 1 : i32
        %dma_start3A_479 = arith.constant 6 : i32
        %dma_start3A_480 = arith.constant 0 : i32
        %dma_start3A_481 = tpu.memref_slice %arg17[%dma_start3A_477, %dma_start3A_480] : memref<2x1024xf32, #tpu.memory_space<vmem>> -> memref<1x1024xf32, #tpu.memory_space<vmem>>
        %dma_start3A_482 = tpu.memref_squeeze %dma_start3A_481 : memref<1x1024xf32, #tpu.memory_space<vmem>> -> memref<1024xf32, #tpu.memory_space<vmem>>
        %dma_start3A_483 = arith.constant 768 : i32
        %dma_start3A_484 = tpu.memref_slice %dma_start3A_482[%dma_start3A_483] : memref<1024xf32, #tpu.memory_space<vmem>> -> memref<128xf32, #tpu.memory_space<vmem>>
        %dma_start3A_485 = arith.constant 0 : i32
        %dma_start3A_486 = arith.constant 0 : i32
        %dma_start3A_487 = tpu.memref_slice %arg16[%dma_start3A_478, %dma_start3A_485, %dma_start3A_486] : memref<2x8x128xi32, #tpu.memory_space<vmem>> -> memref<1x8x128xi32, #tpu.memory_space<vmem>>
        %dma_start3A_488 = tpu.memref_squeeze %dma_start3A_487 : memref<1x8x128xi32, #tpu.memory_space<vmem>> -> memref<8x128xi32, #tpu.memory_space<vmem>>
        %dma_start3A_489 = arith.constant 0 : i32
        %dma_start3A_490 = tpu.memref_slice %dma_start3A_488[%dma_start3A_479, %dma_start3A_489] : memref<8x128xi32, #tpu.memory_space<vmem>> -> memref<1x128xi32, #tpu.memory_space<vmem>>
        %dma_start3A_491 = tpu.memref_squeeze %dma_start3A_490 : memref<1x128xi32, #tpu.memory_space<vmem>> -> memref<128xi32, #tpu.memory_space<vmem>>
        %dma_start3A_492 = arith.constant 0 : i32
        %dma_start3A_493 = tpu.memref_slice %arg20[%dma_start3A_492] : memref<163840xf32, #tpu.memory_space<vmem_shared>> -> memref<163840xf32, #tpu.memory_space<vmem_shared>>
        tpu.enqueue_indirect_dma source(%dma_start3A_484 : memref<128xf32, #tpu.memory_space<vmem>>) target(%dma_start3A_493 : memref<163840xf32, #tpu.memory_space<vmem_shared>>) offsets(%dma_start3A_491 : memref<128xi32, #tpu.memory_space<vmem>>) semaphore(%arg29 : memref<!tpu.dma_semaphore, #tpu.memory_space<semaphore_mem>>) {add = true}
        %dma_start3A_494 = arith.constant 1 : i32
        %dma_start3A_495 = arith.constant 1 : i32
        %dma_start3A_496 = arith.constant 7 : i32
        %dma_start3A_497 = arith.constant 0 : i32
        %dma_start3A_498 = tpu.memref_slice %arg17[%dma_start3A_494, %dma_start3A_497] : memref<2x1024xf32, #tpu.memory_space<vmem>> -> memref<1x1024xf32, #tpu.memory_space<vmem>>
        %dma_start3A_499 = tpu.memref_squeeze %dma_start3A_498 : memref<1x1024xf32, #tpu.memory_space<vmem>> -> memref<1024xf32, #tpu.memory_space<vmem>>
        %dma_start3A_500 = arith.constant 896 : i32
        %dma_start3A_501 = tpu.memref_slice %dma_start3A_499[%dma_start3A_500] : memref<1024xf32, #tpu.memory_space<vmem>> -> memref<128xf32, #tpu.memory_space<vmem>>
        %dma_start3A_502 = arith.constant 0 : i32
        %dma_start3A_503 = arith.constant 0 : i32
        %dma_start3A_504 = tpu.memref_slice %arg16[%dma_start3A_495, %dma_start3A_502, %dma_start3A_503] : memref<2x8x128xi32, #tpu.memory_space<vmem>> -> memref<1x8x128xi32, #tpu.memory_space<vmem>>
        %dma_start3A_505 = tpu.memref_squeeze %dma_start3A_504 : memref<1x8x128xi32, #tpu.memory_space<vmem>> -> memref<8x128xi32, #tpu.memory_space<vmem>>
        %dma_start3A_506 = arith.constant 0 : i32
        %dma_start3A_507 = tpu.memref_slice %dma_start3A_505[%dma_start3A_496, %dma_start3A_506] : memref<8x128xi32, #tpu.memory_space<vmem>> -> memref<1x128xi32, #tpu.memory_space<vmem>>
        %dma_start3A_508 = tpu.memref_squeeze %dma_start3A_507 : memref<1x128xi32, #tpu.memory_space<vmem>> -> memref<128xi32, #tpu.memory_space<vmem>>
        %dma_start3A_509 = arith.constant 0 : i32
        %dma_start3A_510 = tpu.memref_slice %arg20[%dma_start3A_509] : memref<163840xf32, #tpu.memory_space<vmem_shared>> -> memref<163840xf32, #tpu.memory_space<vmem_shared>>
        tpu.enqueue_indirect_dma source(%dma_start3A_501 : memref<128xf32, #tpu.memory_space<vmem>>) target(%dma_start3A_510 : memref<163840xf32, #tpu.memory_space<vmem_shared>>) offsets(%dma_start3A_508 : memref<128xi32, #tpu.memory_space<vmem>>) semaphore(%arg29 : memref<!tpu.dma_semaphore, #tpu.memory_space<semaphore_mem>>) {add = true}
        %dma_start3A_511 = arith.constant 0 : i32
        %dma_start3A_512 = tpu.memref_slice %arg14[%add3A_323, %dma_start3A_511] : memref<32x64xi32, #tpu.memory_space<vmem>> -> memref<1x64xi32, #tpu.memory_space<vmem>>
        %dma_start3A_513 = tpu.memref_squeeze %dma_start3A_512 : memref<1x64xi32, #tpu.memory_space<vmem>> -> memref<64xi32, #tpu.memory_space<vmem>>
        %dma_start3A_514 = arith.constant 0 : i32
        %dma_start3A_515 = tpu.memref_slice %arg21[%dma_start3A_514] : memref<10240xf32, #tpu.memory_space<vmem_shared>> -> memref<10240xf32, #tpu.memory_space<vmem_shared>>
        tpu.enqueue_indirect_dma source(%arg18 : memref<64xf32, #tpu.memory_space<vmem>>) target(%dma_start3A_515 : memref<10240xf32, #tpu.memory_space<vmem_shared>>) offsets(%dma_start3A_513 : memref<64xi32, #tpu.memory_space<vmem>>) semaphore(%arg29 : memref<!tpu.dma_semaphore, #tpu.memory_space<semaphore_mem>>) {add = true}
        %dma_wait3A_516 = arith.constant 0 : i32
        %dma_wait3A_517 = arith.constant 0 : i32
        %dma_wait3A_518 = arith.constant 0 : i32
        %dma_wait3A_519 = arith.constant 0 : i32
        %dma_wait3A_520 = tpu.memref_slice %arg15[%dma_wait3A_516, %dma_wait3A_518, %dma_wait3A_519] : memref<2x64x128xf32, #tpu.memory_space<vmem>> -> memref<1x64x128xf32, #tpu.memory_space<vmem>>
        %dma_wait3A_521 = tpu.memref_squeeze %dma_wait3A_520 : memref<1x64x128xf32, #tpu.memory_space<vmem>> -> memref<64x128xf32, #tpu.memory_space<vmem>>
        %dma_wait3A_522 = arith.constant 0 : i32
        %dma_wait3A_523 = tpu.memref_slice %arg14[%dma_wait3A_517, %dma_wait3A_522] : memref<32x64xi32, #tpu.memory_space<vmem>> -> memref<1x64xi32, #tpu.memory_space<vmem>>
        %dma_wait3A_524 = tpu.memref_squeeze %dma_wait3A_523 : memref<1x64xi32, #tpu.memory_space<vmem>> -> memref<64xi32, #tpu.memory_space<vmem>>
        %dma_wait3A_525 = arith.constant 0 : i32
        %dma_wait3A_526 = arith.constant 0 : i32
        %dma_wait3A_527 = tpu.memref_slice %arg19[%dma_wait3A_525, %dma_wait3A_526] : memref<10240x128xf32, #tpu.memory_space<vmem_shared>> -> memref<10240x128xf32, #tpu.memory_space<vmem_shared>>
        tpu.wait_indirect_dma semaphore(%arg28 : memref<!tpu.dma_semaphore, #tpu.memory_space<semaphore_mem>>) src(%dma_wait3A_521 : memref<64x128xf32, #tpu.memory_space<vmem>>) dst(%dma_wait3A_527 : memref<10240x128xf32, #tpu.memory_space<vmem_shared>>)
        %dma_wait3A_528 = arith.constant 0 : i32
        %dma_wait3A_529 = arith.constant 0 : i32
        %dma_wait3A_530 = tpu.memref_slice %arg17[%dma_wait3A_528, %dma_wait3A_529] : memref<2x1024xf32, #tpu.memory_space<vmem>> -> memref<1x1024xf32, #tpu.memory_space<vmem>>
        %dma_wait3A_531 = tpu.memref_squeeze %dma_wait3A_530 : memref<1x1024xf32, #tpu.memory_space<vmem>> -> memref<1024xf32, #tpu.memory_space<vmem>>
        %dma_wait3A_532 = arith.constant 0 : i32
        %dma_wait3A_533 = tpu.memref_slice %arg20[%dma_wait3A_532] : memref<163840xf32, #tpu.memory_space<vmem_shared>> -> memref<1024xf32, #tpu.memory_space<vmem_shared>>
        %dma_wait3A_534 = arith.constant 0 : i32
        %dma_wait3A_535 = tpu.memref_slice %arg20[%dma_wait3A_534] : memref<163840xf32, #tpu.memory_space<vmem_shared>> -> memref<1024xf32, #tpu.memory_space<vmem_shared>>
        %dma_wait3A_536 = arith.constant 0 : i32
        %dma_wait3A_537 = tpu.memref_slice %arg17[%dma_wait3A_528, %dma_wait3A_536] : memref<2x1024xf32, #tpu.memory_space<vmem>> -> memref<1x1024xf32, #tpu.memory_space<vmem>>
        %dma_wait3A_538 = tpu.memref_squeeze %dma_wait3A_537 : memref<1x1024xf32, #tpu.memory_space<vmem>> -> memref<1024xf32, #tpu.memory_space<vmem>>
        tpu.wait_dma2 semaphore(%arg28 : memref<!tpu.dma_semaphore, #tpu.memory_space<semaphore_mem>>) src(%dma_wait3A_538 : memref<1024xf32, #tpu.memory_space<vmem>>) dst(%dma_wait3A_535 : memref<1024xf32, #tpu.memory_space<vmem_shared>>)
        %dma_wait3A_539 = arith.constant 0 : i32
        %dma_wait3A_540 = tpu.memref_slice %arg21[%dma_wait3A_539] : memref<10240xf32, #tpu.memory_space<vmem_shared>> -> memref<64xf32, #tpu.memory_space<vmem_shared>>
        %dma_wait3A_541 = arith.constant 0 : i32
        %dma_wait3A_542 = tpu.memref_slice %arg21[%dma_wait3A_541] : memref<10240xf32, #tpu.memory_space<vmem_shared>> -> memref<64xf32, #tpu.memory_space<vmem_shared>>
        tpu.wait_dma2 semaphore(%arg28 : memref<!tpu.dma_semaphore, #tpu.memory_space<semaphore_mem>>) src(%arg18 : memref<64xf32, #tpu.memory_space<vmem>>) dst(%dma_wait3A_542 : memref<64xf32, #tpu.memory_space<vmem_shared>>)
        %lt3A_543 = arith.constant 31 : i32
        %lt3A_544 = arith.cmpi slt, %add3A_323, %lt3A_543 : i32
        %convert_element_type3A_545 = arith.extui %lt3A_544 : i1 to i32
        %cond3A_546 = arith.constant 0 : i32
        %cond3A_547 = arith.cmpi ne, %convert_element_type3A_545, %cond3A_546 : i32
        scf.if %cond3A_547 {
          %add3A_548 = arith.constant 1 : i32
          %add3A_549 = arith.addi %add3A_323, %add3A_548 : i32
          %add3A_550 = arith.addi %add3A_67, %add3A_549 : i32
          %mul3A_551 = arith.constant 8 : i32
          %mul3A_552 = arith.muli %add3A_550, %mul3A_551 : i32
          %mul3A_553 = arith.constant 64 : i32
          %mul3A_554 = arith.muli %add3A_550, %mul3A_553 : i32
          %mul3A_555 = arith.constant 16 : i32
          %mul3A_556 = arith.muli %mul3A_554, %mul3A_555 : i32
          %dma_start3A_557 = arith.constant 0 : i32
          %dma_start3A_558 = arith.constant 0 : i32
          %dma_start3A_559 = arith.constant 0 : i32
          %dma_start3A_560 = tpu.memref_slice %arg15[%dma_start3A_557, %dma_start3A_558, %dma_start3A_559] : memref<2x64x128xf32, #tpu.memory_space<vmem>> -> memref<1x64x128xf32, #tpu.memory_space<vmem>>
          %dma_start3A_561 = tpu.memref_squeeze %dma_start3A_560 : memref<1x64x128xf32, #tpu.memory_space<vmem>> -> memref<64x128xf32, #tpu.memory_space<vmem>>
          %dma_start3A_562 = arith.constant 0 : i32
          %dma_start3A_563 = tpu.memref_slice %arg13[%add3A_549, %dma_start3A_562] : memref<32x64xi32, #tpu.memory_space<vmem>> -> memref<1x64xi32, #tpu.memory_space<vmem>>
          %dma_start3A_564 = tpu.memref_squeeze %dma_start3A_563 : memref<1x64xi32, #tpu.memory_space<vmem>> -> memref<64xi32, #tpu.memory_space<vmem>>
          %dma_start3A_565 = arith.constant 0 : i32
          %dma_start3A_566 = arith.constant 0 : i32
          %dma_start3A_567 = tpu.memref_slice %arg2[%dma_start3A_565, %dma_start3A_566] : memref<10000x128xf32, #tpu.memory_space<hbm>> -> memref<10000x128xf32, #tpu.memory_space<hbm>>
          tpu.enqueue_indirect_dma source(%dma_start3A_567 : memref<10000x128xf32, #tpu.memory_space<hbm>>) target(%dma_start3A_561 : memref<64x128xf32, #tpu.memory_space<vmem>>) offsets(%dma_start3A_564 : memref<64xi32, #tpu.memory_space<vmem>>) semaphore(%arg22 : memref<!tpu.dma_semaphore, #tpu.memory_space<semaphore_mem>>)
          %dma_start3A_568 = arith.constant 0 : i32
          %dma_start3A_569 = arith.constant 0 : i32
          %dma_start3A_570 = arith.constant 0 : i32
          %dma_start3A_571 = tpu.memref_slice %arg16[%dma_start3A_568, %dma_start3A_569, %dma_start3A_570] : memref<2x8x128xi32, #tpu.memory_space<vmem>> -> memref<1x8x128xi32, #tpu.memory_space<vmem>>
          %dma_start3A_572 = tpu.memref_squeeze %dma_start3A_571 : memref<1x8x128xi32, #tpu.memory_space<vmem>> -> memref<8x128xi32, #tpu.memory_space<vmem>>
          %dma_start3A_573 = arith.constant 0 : i32
          %dma_start3A_574 = tpu.memref_slice %arg5[%mul3A_552, %dma_start3A_573] : memref<40960x128xi32, #tpu.memory_space<hbm>> -> memref<8x128xi32, #tpu.memory_space<hbm>>
          %dma_start3A_575 = arith.constant 0 : i32
          %dma_start3A_576 = arith.constant 0 : i32
          %dma_start3A_577 = tpu.memref_slice %arg16[%dma_start3A_568, %dma_start3A_575, %dma_start3A_576] : memref<2x8x128xi32, #tpu.memory_space<vmem>> -> memref<1x8x128xi32, #tpu.memory_space<vmem>>
          %dma_start3A_578 = tpu.memref_squeeze %dma_start3A_577 : memref<1x8x128xi32, #tpu.memory_space<vmem>> -> memref<8x128xi32, #tpu.memory_space<vmem>>
          %dma_start3A_579 = arith.constant 0 : i32
          %dma_start3A_580 = tpu.memref_slice %arg5[%mul3A_552, %dma_start3A_579] : memref<40960x128xi32, #tpu.memory_space<hbm>> -> memref<8x128xi32, #tpu.memory_space<hbm>>
          tpu.enqueue_dma source(%dma_start3A_580 : memref<8x128xi32, #tpu.memory_space<hbm>>) target(%dma_start3A_578 : memref<8x128xi32, #tpu.memory_space<vmem>>) target_semaphore(%arg24 : memref<!tpu.dma_semaphore, #tpu.memory_space<semaphore_mem>>)
          %dma_start3A_581 = arith.constant 0 : i32
          %dma_start3A_582 = arith.constant 0 : i32
          %dma_start3A_583 = tpu.memref_slice %arg17[%dma_start3A_581, %dma_start3A_582] : memref<2x1024xf32, #tpu.memory_space<vmem>> -> memref<1x1024xf32, #tpu.memory_space<vmem>>
          %dma_start3A_584 = tpu.memref_squeeze %dma_start3A_583 : memref<1x1024xf32, #tpu.memory_space<vmem>> -> memref<1024xf32, #tpu.memory_space<vmem>>
          %dma_start3A_585 = tpu.memref_slice %arg6[%mul3A_556] : memref<5242880xf32, #tpu.memory_space<hbm>> -> memref<1024xf32, #tpu.memory_space<hbm>>
          %dma_start3A_586 = arith.constant 0 : i32
          %dma_start3A_587 = tpu.memref_slice %arg17[%dma_start3A_581, %dma_start3A_586] : memref<2x1024xf32, #tpu.memory_space<vmem>> -> memref<1x1024xf32, #tpu.memory_space<vmem>>
          %dma_start3A_588 = tpu.memref_squeeze %dma_start3A_587 : memref<1x1024xf32, #tpu.memory_space<vmem>> -> memref<1024xf32, #tpu.memory_space<vmem>>
          %dma_start3A_589 = tpu.memref_slice %arg6[%mul3A_556] : memref<5242880xf32, #tpu.memory_space<hbm>> -> memref<1024xf32, #tpu.memory_space<hbm>>
          tpu.enqueue_dma source(%dma_start3A_589 : memref<1024xf32, #tpu.memory_space<hbm>>) target(%dma_start3A_588 : memref<1024xf32, #tpu.memory_space<vmem>>) target_semaphore(%arg26 : memref<!tpu.dma_semaphore, #tpu.memory_space<semaphore_mem>>)
        } else {
        }
      }
      %scan3A_114 = arith.constant 16 : i32
    }
    %scan3A_21 = arith.constant 5 : i32
    %dma_wait3A = arith.constant 1 : i32
    %dma_wait3A_22 = arith.constant 0 : i32
    %dma_wait3A_23 = arith.constant 0 : i32
    %dma_wait3A_24 = arith.constant 0 : i32
    %dma_wait3A_25 = tpu.memref_slice %arg15[%dma_wait3A, %dma_wait3A_23, %dma_wait3A_24] : memref<2x64x128xf32, #tpu.memory_space<vmem>> -> memref<1x64x128xf32, #tpu.memory_space<vmem>>
    %dma_wait3A_26 = tpu.memref_squeeze %dma_wait3A_25 : memref<1x64x128xf32, #tpu.memory_space<vmem>> -> memref<64x128xf32, #tpu.memory_space<vmem>>
    %dma_wait3A_27 = arith.constant 0 : i32
    %dma_wait3A_28 = tpu.memref_slice %arg14[%dma_wait3A_22, %dma_wait3A_27] : memref<32x64xi32, #tpu.memory_space<vmem>> -> memref<1x64xi32, #tpu.memory_space<vmem>>
    %dma_wait3A_29 = tpu.memref_squeeze %dma_wait3A_28 : memref<1x64xi32, #tpu.memory_space<vmem>> -> memref<64xi32, #tpu.memory_space<vmem>>
    %dma_wait3A_30 = arith.constant 0 : i32
    %dma_wait3A_31 = arith.constant 0 : i32
    %dma_wait3A_32 = tpu.memref_slice %arg19[%dma_wait3A_30, %dma_wait3A_31] : memref<10240x128xf32, #tpu.memory_space<vmem_shared>> -> memref<10240x128xf32, #tpu.memory_space<vmem_shared>>
    tpu.wait_indirect_dma semaphore(%arg29 : memref<!tpu.dma_semaphore, #tpu.memory_space<semaphore_mem>>) src(%dma_wait3A_26 : memref<64x128xf32, #tpu.memory_space<vmem>>) dst(%dma_wait3A_32 : memref<10240x128xf32, #tpu.memory_space<vmem_shared>>)
    %dma_wait3A_33 = arith.constant 1 : i32
    %dma_wait3A_34 = arith.constant 0 : i32
    %dma_wait3A_35 = tpu.memref_slice %arg17[%dma_wait3A_33, %dma_wait3A_34] : memref<2x1024xf32, #tpu.memory_space<vmem>> -> memref<1x1024xf32, #tpu.memory_space<vmem>>
    %dma_wait3A_36 = tpu.memref_squeeze %dma_wait3A_35 : memref<1x1024xf32, #tpu.memory_space<vmem>> -> memref<1024xf32, #tpu.memory_space<vmem>>
    %dma_wait3A_37 = arith.constant 0 : i32
    %dma_wait3A_38 = tpu.memref_slice %arg20[%dma_wait3A_37] : memref<163840xf32, #tpu.memory_space<vmem_shared>> -> memref<1024xf32, #tpu.memory_space<vmem_shared>>
    %dma_wait3A_39 = arith.constant 0 : i32
    %dma_wait3A_40 = tpu.memref_slice %arg20[%dma_wait3A_39] : memref<163840xf32, #tpu.memory_space<vmem_shared>> -> memref<1024xf32, #tpu.memory_space<vmem_shared>>
    %dma_wait3A_41 = arith.constant 0 : i32
    %dma_wait3A_42 = tpu.memref_slice %arg17[%dma_wait3A_33, %dma_wait3A_41] : memref<2x1024xf32, #tpu.memory_space<vmem>> -> memref<1x1024xf32, #tpu.memory_space<vmem>>
    %dma_wait3A_43 = tpu.memref_squeeze %dma_wait3A_42 : memref<1x1024xf32, #tpu.memory_space<vmem>> -> memref<1024xf32, #tpu.memory_space<vmem>>
    tpu.wait_dma2 semaphore(%arg29 : memref<!tpu.dma_semaphore, #tpu.memory_space<semaphore_mem>>) src(%dma_wait3A_43 : memref<1024xf32, #tpu.memory_space<vmem>>) dst(%dma_wait3A_40 : memref<1024xf32, #tpu.memory_space<vmem_shared>>)
    %dma_wait3A_44 = arith.constant 0 : i32
    %dma_wait3A_45 = tpu.memref_slice %arg21[%dma_wait3A_44] : memref<10240xf32, #tpu.memory_space<vmem_shared>> -> memref<64xf32, #tpu.memory_space<vmem_shared>>
    %dma_wait3A_46 = arith.constant 0 : i32
    %dma_wait3A_47 = tpu.memref_slice %arg21[%dma_wait3A_46] : memref<10240xf32, #tpu.memory_space<vmem_shared>> -> memref<64xf32, #tpu.memory_space<vmem_shared>>
    tpu.wait_dma2 semaphore(%arg29 : memref<!tpu.dma_semaphore, #tpu.memory_space<semaphore_mem>>) src(%arg18 : memref<64xf32, #tpu.memory_space<vmem>>) dst(%dma_wait3A_47 : memref<64xf32, #tpu.memory_space<vmem_shared>>)
    %barrier3A_48 = arith.constant 0 : index
    tpu.barrier barrier_id(%barrier3A_48)
    %mul3A_49 = arith.constant 640 : i32
    %mul3A_50 = arith.muli %arg1, %mul3A_49 : i32
    %mul3A_51 = arith.constant 10240 : i32
    %mul3A_52 = arith.muli %arg0, %mul3A_51 : i32
    %add3A_53 = arith.addi %mul3A_52, %mul3A_50 : i32
    "tpu.region"() ({
      %run_scoped3A = tpu.sem_alloc : memref<!tpu.dma_semaphore, #tpu.memory_space<semaphore_mem>>
      %dma_start3A = arith.constant 0 : i32
      %dma_start3A_64 = tpu.memref_slice %arg10[%add3A_53, %dma_start3A] : memref<20480x128xf32, #tpu.memory_space<hbm>> -> memref<640x128xf32, #tpu.memory_space<hbm>>
      %dma_start3A_65 = arith.constant 0 : i32
      %dma_start3A_66 = tpu.memref_slice %arg19[%mul3A_50, %dma_start3A_65] : memref<10240x128xf32, #tpu.memory_space<vmem_shared>> -> memref<640x128xf32, #tpu.memory_space<vmem_shared>>
      tpu.enqueue_dma source(%dma_start3A_66 : memref<640x128xf32, #tpu.memory_space<vmem_shared>>) target(%dma_start3A_64 : memref<640x128xf32, #tpu.memory_space<hbm>>) target_semaphore(%run_scoped3A : memref<!tpu.dma_semaphore, #tpu.memory_space<semaphore_mem>>)
      %dma_wait3A_67 = arith.constant 0 : i32
      %dma_wait3A_68 = tpu.memref_slice %arg10[%add3A_53, %dma_wait3A_67] : memref<20480x128xf32, #tpu.memory_space<hbm>> -> memref<640x128xf32, #tpu.memory_space<hbm>>
      %dma_wait3A_69 = arith.constant 0 : i32
      %dma_wait3A_70 = tpu.memref_slice %arg19[%mul3A_50, %dma_wait3A_69] : memref<10240x128xf32, #tpu.memory_space<vmem_shared>> -> memref<640x128xf32, #tpu.memory_space<vmem_shared>>
      tpu.wait_dma2 semaphore(%run_scoped3A : memref<!tpu.dma_semaphore, #tpu.memory_space<semaphore_mem>>) src(%dma_wait3A_70 : memref<640x128xf32, #tpu.memory_space<vmem_shared>>) dst(%dma_wait3A_68 : memref<640x128xf32, #tpu.memory_space<hbm>>)
      tpu.yield
    }) : () -> ()
    %mul3A_54 = arith.constant 16 : i32
    %mul3A_55 = arith.muli %mul3A_50, %mul3A_54 : i32
    %mul3A_56 = arith.constant 10240 : i32
    %mul3A_57 = arith.muli %arg0, %mul3A_56 : i32
    %add3A_58 = arith.addi %mul3A_57, %mul3A_50 : i32
    %mul3A_59 = arith.constant 16 : i32
    %mul3A_60 = arith.muli %add3A_58, %mul3A_59 : i32
    "tpu.region"() ({
      %run_scoped3A = tpu.sem_alloc : memref<!tpu.dma_semaphore, #tpu.memory_space<semaphore_mem>>
      %dma_start3A = tpu.memref_slice %arg11[%mul3A_60] : memref<327680xf32, #tpu.memory_space<hbm>> -> memref<10240xf32, #tpu.memory_space<hbm>>
      %dma_start3A_64 = tpu.memref_slice %arg20[%mul3A_55] : memref<163840xf32, #tpu.memory_space<vmem_shared>> -> memref<10240xf32, #tpu.memory_space<vmem_shared>>
      tpu.enqueue_dma source(%dma_start3A_64 : memref<10240xf32, #tpu.memory_space<vmem_shared>>) target(%dma_start3A : memref<10240xf32, #tpu.memory_space<hbm>>) target_semaphore(%run_scoped3A : memref<!tpu.dma_semaphore, #tpu.memory_space<semaphore_mem>>)
      %dma_wait3A_65 = tpu.memref_slice %arg11[%mul3A_60] : memref<327680xf32, #tpu.memory_space<hbm>> -> memref<10240xf32, #tpu.memory_space<hbm>>
      %dma_wait3A_66 = tpu.memref_slice %arg20[%mul3A_55] : memref<163840xf32, #tpu.memory_space<vmem_shared>> -> memref<10240xf32, #tpu.memory_space<vmem_shared>>
      tpu.wait_dma2 semaphore(%run_scoped3A : memref<!tpu.dma_semaphore, #tpu.memory_space<semaphore_mem>>) src(%dma_wait3A_66 : memref<10240xf32, #tpu.memory_space<vmem_shared>>) dst(%dma_wait3A_65 : memref<10240xf32, #tpu.memory_space<hbm>>)
      tpu.yield
    }) : () -> ()
    %mul3A_61 = arith.constant 10240 : i32
    %mul3A_62 = arith.muli %arg0, %mul3A_61 : i32
    %add3A_63 = arith.addi %mul3A_62, %mul3A_50 : i32
    "tpu.region"() ({
      %run_scoped3A = tpu.sem_alloc : memref<!tpu.dma_semaphore, #tpu.memory_space<semaphore_mem>>
      %dma_start3A = tpu.memref_slice %arg12[%add3A_63] : memref<20480xf32, #tpu.memory_space<hbm>> -> memref<640xf32, #tpu.memory_space<hbm>>
      %dma_start3A_64 = tpu.memref_slice %arg21[%mul3A_50] : memref<10240xf32, #tpu.memory_space<vmem_shared>> -> memref<640xf32, #tpu.memory_space<vmem_shared>>
      tpu.enqueue_dma source(%dma_start3A_64 : memref<640xf32, #tpu.memory_space<vmem_shared>>) target(%dma_start3A : memref<640xf32, #tpu.memory_space<hbm>>) target_semaphore(%run_scoped3A : memref<!tpu.dma_semaphore, #tpu.memory_space<semaphore_mem>>)
      %dma_wait3A_65 = tpu.memref_slice %arg12[%add3A_63] : memref<20480xf32, #tpu.memory_space<hbm>> -> memref<640xf32, #tpu.memory_space<hbm>>
      %dma_wait3A_66 = tpu.memref_slice %arg21[%mul3A_50] : memref<10240xf32, #tpu.memory_space<vmem_shared>> -> memref<640xf32, #tpu.memory_space<vmem_shared>>
      tpu.wait_dma2 semaphore(%run_scoped3A : memref<!tpu.dma_semaphore, #tpu.memory_space<semaphore_mem>>) src(%dma_wait3A_66 : memref<640xf32, #tpu.memory_space<vmem_shared>>) dst(%dma_wait3A_65 : memref<640xf32, #tpu.memory_space<hbm>>)
      tpu.yield
    }) : () -> ()
    return
  }
}

module attributes {stable_mosaic.version = 14 : i64} {
  func.func @body(%arg0: i32, %arg1: memref<2000x128xf32, #tpu.memory_space<vmem>>, %arg2: memref<128x256xf32, #tpu.memory_space<vmem>>, %arg3: memref<1x256xf32, #tpu.memory_space<vmem>>, %arg4: memref<2000x128xf32, #tpu.memory_space<vmem>>, %arg5: memref<2000x128xf32, #tpu.memory_space<vmem>>) attributes {dimension_semantics = [#tpu.dimension_semantics<arbitrary>], iteration_bounds = array<i64: 5>, scalar_prefetch = 0 : i64, scratch_operands = 0 : i64, tpu.core_type = #tpu.core_type<tc>, window_params = [{transform_indices = @transform_0, window_bounds = array<i64: 2000, 128>}, {pipeline_mode = #tpu.pipeline_mode<synchronous>, transform_indices = @transform_1, window_bounds = array<i64: 128, 256>}, {pipeline_mode = #tpu.pipeline_mode<synchronous>, transform_indices = @transform_2, window_bounds = array<i64: 1, 256>}, {transform_indices = @transform_3, window_bounds = array<i64: 2000, 128>}, {transform_indices = @transform_4, window_bounds = array<i64: 2000, 128>}]} {
    %get3A = arith.constant 0 : index
    %get3A_0 = arith.constant 0 : index
    %get3A_1 = vector.load %arg1[%get3A, %get3A_0] : memref<2000x128xf32, #tpu.memory_space<vmem>>, vector<2000x128xf32>
    %get3A_2 = arith.constant 0 : index
    %get3A_3 = arith.constant 0 : index
    %get3A_4 = vector.load %arg2[%get3A_2, %get3A_3] : memref<128x256xf32, #tpu.memory_space<vmem>>, vector<128x256xf32>
    %dot_general3A = arith.constant dense<0.000000e+00> : vector<2000x256xf32>
    %dot_general3A_5 = tpu.matmul %get3A_1, %get3A_4, %dot_general3A {dimension_numbers = #tpu.dot_dimension_numbers<[1], [0], [0], [1], [0, 0, 1, 1], [], []>, transpose_lhs_hint = false} : vector<2000x128xf32>, vector<128x256xf32>, vector<2000x256xf32> -> vector<2000x256xf32>
    %get3A_6 = arith.constant 0 : index
    %get3A_7 = arith.constant 0 : index
    %get3A_8 = vector.load %arg3[%get3A_6, %get3A_7] : memref<1x256xf32, #tpu.memory_space<vmem>>, vector<1x256xf32>
    %add3A = vector.broadcast %get3A_8 : vector<1x256xf32> to vector<2000x256xf32>
    %add3A_9 = arith.addf %dot_general3A_5, %add3A : vector<2000x256xf32>
    %slice3A = vector.extract_strided_slice %add3A_9 {offsets = [0, 0], sizes = [2000, 128], strides = [1, 1]} : vector<2000x256xf32> to vector<2000x128xf32>
    %swap3A = arith.constant 0 : index
    %swap3A_10 = arith.constant 0 : index
    %swap3A_11 = vector.load %arg4[%swap3A, %swap3A_10] : memref<2000x128xf32, #tpu.memory_space<vmem>>, vector<2000x128xf32>
    tpu.vector_store %arg4[%swap3A, %swap3A_10], %slice3A {strides = array<i32>} : memref<2000x128xf32, #tpu.memory_space<vmem>>, vector<2000x128xf32>,
    %slice3A_12 = vector.extract_strided_slice %add3A_9 {offsets = [0, 128], sizes = [2000, 128], strides = [1, 1]} : vector<2000x256xf32> to vector<2000x128xf32>
    %swap3A_13 = arith.constant 0 : index
    %swap3A_14 = arith.constant 0 : index
    %swap3A_15 = vector.load %arg5[%swap3A_13, %swap3A_14] : memref<2000x128xf32, #tpu.memory_space<vmem>>, vector<2000x128xf32>
    tpu.vector_store %arg5[%swap3A_13, %swap3A_14], %slice3A_12 {strides = array<i32>} : memref<2000x128xf32, #tpu.memory_space<vmem>>, vector<2000x128xf32>,
    return
  }
  func.func @transform_0(%arg0: i32) -> (i32, i32) {
    %c0_i32 = arith.constant 0 : i32
    %c0_i32_0 = arith.constant 0 : i32
    return %arg0, %c0_i32 : i32, i32
  }
  func.func @transform_1(%arg0: i32) -> (i32, i32) {
    %c0_i32 = arith.constant 0 : i32
    %c0_i32_0 = arith.constant 0 : i32
    %c0_i32_1 = arith.constant 0 : i32
    return %c0_i32, %c0_i32_0 : i32, i32
  }
  func.func @transform_2(%arg0: i32) -> (i32, i32) {
    %c0_i32 = arith.constant 0 : i32
    %c0_i32_0 = arith.constant 0 : i32
    %c0_i32_1 = arith.constant 0 : i32
    return %c0_i32, %c0_i32_0 : i32, i32
  }
  func.func @transform_3(%arg0: i32) -> (i32, i32) {
    %c0_i32 = arith.constant 0 : i32
    %c0_i32_0 = arith.constant 0 : i32
    return %arg0, %c0_i32 : i32, i32
  }
  func.func @transform_4(%arg0: i32) -> (i32, i32) {
    %c0_i32 = arith.constant 0 : i32
    %c0_i32_0 = arith.constant 0 : i32
    return %arg0, %c0_i32 : i32, i32
  }
}

module attributes {stable_mosaic.version = 14 : i64} {
  func.func @body(%arg0: i32, %arg1: memref<2000x128xf32, #tpu.memory_space<vmem>>, %arg2: memref<2x2000x128xf32, #tpu.memory_space<vmem>>, %arg3: memref<2x2000x16xf32, #tpu.memory_space<vmem>>, %arg4: memref<2x2000x1xf32, #tpu.memory_space<vmem>>, %arg5: memref<16x128xf32, #tpu.memory_space<vmem>>, %arg6: memref<1x128xf32, #tpu.memory_space<vmem>>, %arg7: memref<2000x128xf32, #tpu.memory_space<vmem>>) attributes {dimension_semantics = [#tpu.dimension_semantics<arbitrary>], iteration_bounds = array<i64: 5>, scalar_prefetch = 0 : i64, scratch_operands = 0 : i64, tpu.core_type = #tpu.core_type<tc>, window_params = [{transform_indices = @transform_0, window_bounds = array<i64: 2000, 128>}, {transform_indices = @transform_1, window_bounds = array<i64: 2, 2000, 128>}, {transform_indices = @transform_2, window_bounds = array<i64: 2, 2000, 16>}, {transform_indices = @transform_3, window_bounds = array<i64: 2, 2000, 1>}, {pipeline_mode = #tpu.pipeline_mode<synchronous>, transform_indices = @transform_4, window_bounds = array<i64: 16, 128>}, {pipeline_mode = #tpu.pipeline_mode<synchronous>, transform_indices = @transform_5, window_bounds = array<i64: 1, 128>}, {transform_indices = @transform_6, window_bounds = array<i64: 2000, 128>}]} {
    %get3A = arith.constant 0 : index
    %get3A_0 = arith.constant 0 : index
    %get3A_1 = arith.constant 0 : index
    %get3A_2 = vector.load %arg4[%get3A, %get3A_0, %get3A_1] : memref<2x2000x1xf32, #tpu.memory_space<vmem>>, vector<1x2000x1xf32>
    %get3A_3 = vector.shape_cast %get3A_2 : vector<1x2000x1xf32> to vector<2000x1xf32>
    %get3A_4 = arith.constant 1 : index
    %get3A_5 = arith.constant 0 : index
    %get3A_6 = arith.constant 0 : index
    %get3A_7 = vector.load %arg4[%get3A_4, %get3A_5, %get3A_6] : memref<2x2000x1xf32, #tpu.memory_space<vmem>>, vector<1x2000x1xf32>
    %get3A_8 = vector.shape_cast %get3A_7 : vector<1x2000x1xf32> to vector<2000x1xf32>
    %add3A = arith.addf %get3A_3, %get3A_8 : vector<2000x1xf32>
    %get3A_9 = arith.constant 0 : index
    %get3A_10 = arith.constant 0 : index
    %get3A_11 = arith.constant 0 : index
    %get3A_12 = vector.load %arg2[%get3A_9, %get3A_10, %get3A_11] : memref<2x2000x128xf32, #tpu.memory_space<vmem>>, vector<1x2000x128xf32>
    %get3A_13 = vector.shape_cast %get3A_12 : vector<1x2000x128xf32> to vector<2000x128xf32>
    %get3A_14 = arith.constant 1 : index
    %get3A_15 = arith.constant 0 : index
    %get3A_16 = arith.constant 0 : index
    %get3A_17 = vector.load %arg2[%get3A_14, %get3A_15, %get3A_16] : memref<2x2000x128xf32, #tpu.memory_space<vmem>>, vector<1x2000x128xf32>
    %get3A_18 = vector.shape_cast %get3A_17 : vector<1x2000x128xf32> to vector<2000x128xf32>
    %add3A_19 = arith.addf %get3A_13, %get3A_18 : vector<2000x128xf32>
    %get3A_20 = arith.constant 0 : index
    %get3A_21 = arith.constant 0 : index
    %get3A_22 = arith.constant 0 : index
    %get3A_23 = vector.load %arg3[%get3A_20, %get3A_21, %get3A_22] : memref<2x2000x16xf32, #tpu.memory_space<vmem>>, vector<1x2000x16xf32>
    %get3A_24 = vector.shape_cast %get3A_23 : vector<1x2000x16xf32> to vector<2000x16xf32>
    %get3A_25 = arith.constant 1 : index
    %get3A_26 = arith.constant 0 : index
    %get3A_27 = arith.constant 0 : index
    %get3A_28 = vector.load %arg3[%get3A_25, %get3A_26, %get3A_27] : memref<2x2000x16xf32, #tpu.memory_space<vmem>>, vector<1x2000x16xf32>
    %get3A_29 = vector.shape_cast %get3A_28 : vector<1x2000x16xf32> to vector<2000x16xf32>
    %add3A_30 = arith.addf %get3A_24, %get3A_29 : vector<2000x16xf32>
    %get3A_31 = arith.constant 0 : index
    %get3A_32 = arith.constant 0 : index
    %get3A_33 = vector.load %arg5[%get3A_31, %get3A_32] : memref<16x128xf32, #tpu.memory_space<vmem>>, vector<16x128xf32>
    %dot_general3A = arith.constant dense<0.000000e+00> : vector<2000x128xf32>
    %dot_general3A_34 = tpu.matmul %add3A_30, %get3A_33, %dot_general3A {dimension_numbers = #tpu.dot_dimension_numbers<[1], [0], [0], [1], [0, 0, 1, 1], [], []>, transpose_lhs_hint = false} : vector<2000x16xf32>, vector<16x128xf32>, vector<2000x128xf32> -> vector<2000x128xf32>
    %add3A_35 = arith.addf %add3A_19, %dot_general3A_34 : vector<2000x128xf32>
    %get3A_36 = arith.constant 0 : index
    %get3A_37 = arith.constant 0 : index
    %get3A_38 = vector.load %arg6[%get3A_36, %get3A_37] : memref<1x128xf32, #tpu.memory_space<vmem>>, vector<1x128xf32>
    %mul3A = vector.broadcast %add3A : vector<2000x1xf32> to vector<2000x128xf32>
    %mul3A_39 = vector.broadcast %get3A_38 : vector<1x128xf32> to vector<2000x128xf32>
    %mul3A_40 = arith.mulf %mul3A, %mul3A_39 : vector<2000x128xf32>
    %add3A_41 = arith.addf %add3A_35, %mul3A_40 : vector<2000x128xf32>
    %get3A_42 = arith.constant 0 : index
    %get3A_43 = arith.constant 0 : index
    %get3A_44 = vector.load %arg1[%get3A_42, %get3A_43] : memref<2000x128xf32, #tpu.memory_space<vmem>>, vector<2000x128xf32>
    %max3A = arith.constant 1.000000e+00 : f32
    %max3A_45 = vector.broadcast %max3A : f32 to vector<2000x1xf32>
    %max3A_46 = arith.maximumf %add3A, %max3A_45 : vector<2000x1xf32>
    %mul3A_47 = vector.broadcast %max3A_46 : vector<2000x1xf32> to vector<2000x128xf32>
    %mul3A_48 = arith.mulf %mul3A_47, %add3A_41 : vector<2000x128xf32>
    %add3A_49 = arith.addf %get3A_44, %mul3A_48 : vector<2000x128xf32>
    %swap3A = arith.constant 0 : index
    %swap3A_50 = arith.constant 0 : index
    %swap3A_51 = vector.load %arg7[%swap3A, %swap3A_50] : memref<2000x128xf32, #tpu.memory_space<vmem>>, vector<2000x128xf32>
    tpu.vector_store %arg7[%swap3A, %swap3A_50], %add3A_49 {strides = array<i32>} : memref<2000x128xf32, #tpu.memory_space<vmem>>, vector<2000x128xf32>,
    return
  }
  func.func @transform_0(%arg0: i32) -> (i32, i32) {
    %c0_i32 = arith.constant 0 : i32
    %c0_i32_0 = arith.constant 0 : i32
    return %arg0, %c0_i32 : i32, i32
  }
  func.func @transform_1(%arg0: i32) -> (i32, i32, i32) {
    %c0_i32 = arith.constant 0 : i32
    %c0_i32_0 = arith.constant 0 : i32
    %c0_i32_1 = arith.constant 0 : i32
    return %c0_i32, %arg0, %c0_i32_0 : i32, i32, i32
  }
  func.func @transform_2(%arg0: i32) -> (i32, i32, i32) {
    %c0_i32 = arith.constant 0 : i32
    %c0_i32_0 = arith.constant 0 : i32
    %c0_i32_1 = arith.constant 0 : i32
    return %c0_i32, %arg0, %c0_i32_0 : i32, i32, i32
  }
  func.func @transform_3(%arg0: i32) -> (i32, i32, i32) {
    %c0_i32 = arith.constant 0 : i32
    %c0_i32_0 = arith.constant 0 : i32
    %c0_i32_1 = arith.constant 0 : i32
    return %c0_i32, %arg0, %c0_i32_0 : i32, i32, i32
  }
  func.func @transform_4(%arg0: i32) -> (i32, i32) {
    %c0_i32 = arith.constant 0 : i32
    %c0_i32_0 = arith.constant 0 : i32
    %c0_i32_1 = arith.constant 0 : i32
    return %c0_i32, %c0_i32_0 : i32, i32
  }
  func.func @transform_5(%arg0: i32) -> (i32, i32) {
    %c0_i32 = arith.constant 0 : i32
    %c0_i32_0 = arith.constant 0 : i32
    %c0_i32_1 = arith.constant 0 : i32
    return %c0_i32, %c0_i32_0 : i32, i32
  }
  func.func @transform_6(%arg0: i32) -> (i32, i32) {
    %c0_i32 = arith.constant 0 : i32
    %c0_i32_0 = arith.constant 0 : i32
    return %arg0, %c0_i32 : i32, i32
  }
}

</mosaic_0001>

<sc_bundles>
// kernel: kernel.5.cloned.1.call-start
scs
__scs_entry_jumppad:
0x0: {  	(pc) =	sbr.rel $0x88, $3  }
0x1: {  	(tag) =	ssettag $0x0;
	lr =	simm.s32 $0x1  }
0x2: {  	[smem:$0x3F99] =	sst lr;
	_ =	strace $0xD0000000  }
0x3: {  	_ = 	snop  }
0x4: {  	_ = 	snop  }
0x5: {  	_ = 	snop  }
0x6: {  	_ = 	snop  }
0x7: {  	_ = 	snop  }
__scs_overlays_trampoline_lowered:
0x8: {  	[smem:$0x3FA8] =	sst s0  }
0x9: {  	[smem:$0x3FA9] =	sst s1  }
0xa: {  	[smem:$0x3FAA] =	sst s2  }
0xb: {  	[smem:$0x3FAB] =	sst s3  }
0xc: {  	[smem:$0x3FAC] =	sst s4  }
0xd: {  	[smem:$0x3FAD] =	sst s5  }
0xe: {  	[smem:$0x3FAE] =	sst s6  }
0xf: {  	[smem:$0x3FAF] =	sst s7  }
0x10: {  	[smem:$0x3FB0] =	sst s8  }
0x11: {  	[smem:$0x3FB1] =	sst s9;
	s0 =	simm.s32 @!p0 $0x0  }
0x12: {  	s1 =	sld [smem:$0x3F97];
	s0 =	simm.s32 @p0 $0x1  }
0x13: {  	[smem:$0x3FB2] =	sst s0;
	s0 =	simm.s32 @!p1 $0x0  }
0x14: {  	s2 =	sld [smem:$0x3F96];
	s0 =	simm.s32 @p1 $0x1  }
0x15: {  	[smem:$0x3FB3] =	sst s0;
	s0 =	simm.s32 @!p2 $0x0  }
0x16: {  	s3 =	sld [smem:$0x3FDB];
	s0 =	simm.s32 @p2 $0x1  }
0x17: {  	s4 =	simm.s32 $0x1BF5;
	[smem:$0x3FB5] =	sst s0  }
0x18: {  	s0 =	sld [smem:$0x3F98];
	_ =	swait.ge [sflag:s4], $0x0  }
0x19: {  	s7 =	sld [smem:$0x3F99]  }
0x1a: {  	s8 =	sadd.s32 $0xFFFFE003, lr  }
0x1b: {  	s9 =	sadd.s32 $0xFFFFFEF7, lr;
	s5 =	simm.s32 $0xFFFFFFFF;
	p2 =	slt.u32 s8, $0xFFFFF086  }
0x1c: {  	p1 =	slt.u32 s9, $0xF7A;
	s5 =	simm.s32 @!p2 $0x0  }
0x1d: {  	s5 =	simm.s32 @p1 $0x1;
	p0 =	seq.s32 s7, s2  }
0x1e: {  	s7 =	smul.u32 @!p0 $0xF7A, s2;
	p2 =	seq.s32 @!p0 s5, $0x0  }
0x1f: {  	s9 =	smul.u32 $0xF7A, s1;
	s8 =	simm.s32 @!p0 $0x1BF5;
	p2 =	por !p2, p0  }
0x20: {  	[sflag:s8] =	ssyncset.s32 @!p0 $0xFFFFF086;
	s6 =	sadd.s32 @!p0 s3, s7;
	s7 =	simm.s32 @!p0 $0x108  }
0x21: {  	s3 =	sadd.s32 s3, s9;
	s6 =	sadd.s32 @!p0 $0x88, s6;
	s7 =	simm.s32 @p2 $0x1082  }
0x22: {  	[simem:s7], [sflag:s8] =	dma.local @!p0 [hbm:s6], $0xF7A  }
0x23: {  	s9 =	sor.u32 $0xD0000000, s2;
	s6 =	simm.s32 $0x108;
	_ =	swait.ge @!p0 [sflag:s8], $0x0  }
0x24: {  	s3 =	sadd.s32 $0x88, s3;
	s6 =	simm.s32 @!p1 $0x1082;
	[sflag:s4] =	ssyncset.s32 $0xFFFFF086  }
0x25: {  	[simem:s6], [sflag:s4] =	dma.local [hbm:s3], $0xF7A  }
0x26: {  	[smem:$0x3F99] =	sst s1;
	(tag) =	ssettag s2;
	_ =	strace s9  }
0x27: {  	s1 =	sld [smem:$0x3FA9]  }
0x28: {  	s2 =	sld [smem:$0x3FAA]  }
0x29: {  	s4 =	sld [smem:$0x3FAC]  }
0x2a: {  	p0 =	seq.s32 s5, $0x0;
	s5 =	sld [smem:$0x3FAD]  }
0x2b: {  	s6 =	sld [smem:$0x3FAE]  }
0x2c: {  	s7 =	sld [smem:$0x3FAF]  }
0x2d: {  	s3 =	simm.s32 $0x108;
	s8 =	sld [smem:$0x3FB0]  }
0x2e: {  	s3 =	simm.s32 @!p0 $0x1082;
	s9 =	sld [smem:$0x3FB1]  }
0x2f: {  	lr =	sadd.s32 s0, s3;
	s0 =	sld [smem:$0x3FA8]  }
0x30: {  	s3 =	sld [smem:$0x3FAB]  }
0x31: {  	[smem:$0x3FB4] =	sst s10  }
0x32: {  	s10 =	sld [smem:$0x3FB2];
	_ =	sdelay $0x3  }
0x33: {  	p0 =	seq.s32 s10, $0x1;
	s10 =	sld [smem:$0x3FB4];
	_ =	sdelay $0x3  }
0x34: {  	[smem:$0x3FB4] =	sst s10  }
0x35: {  	s10 =	sld [smem:$0x3FB3];
	_ =	sdelay $0x3  }
0x36: {  	p1 =	seq.s32 s10, $0x1;
	s10 =	sld [smem:$0x3FB4];
	_ =	sdelay $0x3  }
0x37: {  	[smem:$0x3FB4] =	sst s10  }
0x38: {  	s10 =	sld [smem:$0x3FB5]  }
0x39: {  	_ = 	snop;
	(pc) =	sbr.ind lr, $3  }
0x3a: {  	_ = 	snop  }
0x3b: {  	_ = 	snop  }
0x3c: {  	p2 =	seq.s32 s10, $0x1;
	s10 =	sld [smem:$0x3FB4]  }
0x3d: {  	_ =	shalt  }
0x3e: {  	_ =	shalt  }
0x3f: {  	_ =	shalt  }
0x40: {  	_ =	shalt  }
0x41: {  	_ =	shalt  }
0x42: {  	_ =	shalt  }
0x43: {  	_ =	shalt  }
0x44: {  	_ =	shalt  }
0x45: {  	_ =	shalt  }
0x46: {  	_ =	shalt  }
0x47: {  	_ =	shalt  }
0x48: {  	_ =	shalt  }
0x49: {  	_ =	shalt  }
0x4a: {  	_ =	shalt  }
0x4b: {  	_ =	shalt  }
0x4c: {  	_ =	shalt  }
0x4d: {  	_ =	shalt  }
0x4e: {  	_ =	shalt  }
0x4f: {  	_ =	shalt  }
0x50: {  	_ =	shalt  }
0x51: {  	_ =	shalt  }
0x52: {  	_ =	shalt  }
0x53: {  	_ =	shalt  }
0x54: {  	_ =	shalt  }
0x55: {  	_ =	shalt  }
0x56: {  	_ =	shalt  }
0x57: {  	_ =	shalt  }
0x58: {  	_ =	shalt  }
0x59: {  	_ =	shalt  }
0x5a: {  	_ =	shalt  }
0x5b: {  	_ =	shalt  }
0x5c: {  	_ =	shalt  }
0x5d: {  	_ =	shalt  }
0x5e: {  	_ =	shalt  }
0x5f: {  	_ =	shalt  }
0x60: {  	_ =	shalt  }
0x61: {  	_ =	shalt  }
0x62: {  	_ =	shalt  }
0x63: {  	_ =	shalt  }
0x64: {  	_ =	shalt  }
0x65: {  	_ =	shalt  }
0x66: {  	_ =	shalt  }
0x67: {  	_ =	shalt  }
0x68: {  	_ =	shalt  }
0x69: {  	_ =	shalt  }
0x6a: {  	_ =	shalt  }
0x6b: {  	_ =	shalt  }
0x6c: {  	_ =	shalt  }
0x6d: {  	_ =	shalt  }
0x6e: {  	_ =	shalt  }
0x6f: {  	_ =	shalt  }
0x70: {  	_ =	shalt  }
0x71: {  	_ =	shalt  }
0x72: {  	_ =	shalt  }
0x73: {  	_ =	shalt  }
0x74: {  	_ =	shalt  }
0x75: {  	_ =	shalt  }
0x76: {  	_ =	shalt  }
0x77: {  	_ =	shalt  }
0x78: {  	_ =	shalt  }
0x79: {  	_ =	shalt  }
0x7a: {  	_ =	shalt  }
0x7b: {  	_ =	shalt  }
0x7c: {  	_ =	shalt  }
0x7d: {  	_ =	shalt  }
0x7e: {  	_ =	shalt  }
0x7f: {  	_ =	shalt  }
0x80: {  	_ =	shalt  }
0x81: {  	_ =	shalt  }
0x82: {  	_ =	shalt  }
0x83: {  	_ =	shalt  }
0x84: {  	_ =	shalt  }
0x85: {  	_ =	shalt  }
0x86: {  	_ =	shalt  }
0x87: {  	_ =	shalt  }
.Lfunc_end0:
.L_simem_size_0:
called_computation_lowered:
.L_overlay_start_0:
0x88: {  	s2 =	sld [smem:$0x3FD9]  }
0x89: {  	s3 =	sld [smem:$0x3FFE];
	_ =	sdelay $0x1  }
0x8a: {  	s1 =	srdreg.scid  }
0x8b: {  	s0 =	sand.u32 $0x1, s1  }
0x8c: {  	s17 =	sshll.u32 s0, $0xA;
	s2 =	sadd.s32 s3, s2  }
0x8d: {  	s2 =	sadd.s32 s2, s17  }
0x8e: {  	[smem:$0x3FC0] =	sst s2  }
0x8f: {  	_ = 	snop  }
0x90: {  	s2 =	sld [smem:$0x3FD0];
	(tm) =	ssettm $0x1  }
0x91: {  	s18 =	sld [smem:$0x3FFB];
	_ =	sdelay $0x3  }
0x92: {  	_ =	strace s18  }
0x93: {  	s3 =	sld [smem:$0x3FFC];
	_ =	sdelay $0x3  }
0x94: {  	_ =	strace s3  }
0x95: {  	s3 =	sld [smem:$0x3FFD];
	_ =	sdelay $0x3  }
0x96: {  	_ =	strace s3  }
0x97: {  	_ =	strace $0x8FFFFFFF  }
0x98: {  	s19 =	sld [smem:$0x3FDB];
	_ =	sdelay $0x1  }
0x99: {  	s4 =	simm.s32 $_scs_section_size  }
0x9a: {  	s5 =	simm.s32 $_size__tile_overlayer_lowered;
	s6 =	simm.s32 $_tile_overlayer_lowered  }
0x9b: {  	s22 =	simm.s32 $0x1BFF;
	s21 =	sshll.u32 s6, $0x1;
	s3 =	sadd.s32 s4, s19  }
0x9c: {  	s7 =	simm.s32 $0x0;
	s20 =	sshll.u32 s5, $0x1;
	s5 =	sadd.s32 s21, s3  }
0x9d: {  	[timem:s7], [sflag:s22] =	dma.local [hbm:s5], s20  }
0x9e: {  	_ =	swait.ge [sflag:s22], s20  }
0x9f: {  	s4 =	ssub.s32 $0x0, s20;
	[sflag:s22] =	ssyncset.done $0x0  }
0xa0: {  	[sflag:s22] =	ssyncadd.s32 s4;
	_ =	sdelay $0x1  }
0xa1: {  	s23 =	simm.s32 $0x1B8B  }
0xa2: {  	_ =	swait.ge [sflag:s23], $0x1  }
0xa3: {  	[sflag:s23] =	ssyncset.done $0x0  }
0xa4: {  	s25 =	simm.s32 $0x1B8E;
	s24 =	sld [smem:$0x3FFE];
	[sflag:s23] =	ssyncadd.s32 $0xFFFFFFFF  }
0xa5: {  	s26 =	simm.s32 $execute0_lowered;
	[smem:$0x3FD2] =	sst s25  }
0xa6: {  	s5 =	sshll.u32 s26, $0x1;
	_ =	strace $0x80000046;
	[dreg:$0x1] =	wrdreg $0xFFFFFFFF  }
0xa7: {  	s28 =	simm.s32 $_size_execute0_lowered;
	s3 =	sadd.s32 s3, s5;
	[dreg:$0x0] =	wrdreg $0x0  }
0xa8: {  	s5 =	sshll.u32 s28, $0x1;
	[dreg:$0x2] =	wrdreg s3  }
0xa9: {  	[dreg:$0x3] =	wrdreg s5  }
0xaa: {  	[dreg:$0x4] =	wrdreg $0xC0  }
0xab: {  	_ =	task [dreg:s7], $0x5FFFF  }
0xac: {  	[dreg:$0x1] =	wrdreg $0xFFFFFFFF  }
0xad: {  	[dreg:$0x0] =	wrdreg $0x60  }
0xae: {  	[dreg:$0x2] =	wrdreg s2  }
0xaf: {  	[dreg:$0x3] =	wrdreg s24  }
0xb0: {  	[dreg:$0x4] =	wrdreg $0x70800  }
0xb1: {  	[dreg:$0x5] =	wrdreg $0x1D8800  }
0xb2: {  	[dreg:$0x6] =	wrdreg $0x1B0800  }
0xb3: {  	[dreg:$0x7] =	wrdreg $0x9  }
0xb4: {  	_ =	task.clear_ibuf [dreg:s7], $0x8FFFF;
	_ =	strace $0x90000046  }
0xb5: {  	s29 =	simm.s32 $0x9;
	_ =	strace $0x80000048  }
0xb6: {  	_ =	swait.ge [sflag:s29], $0x1  }
0xb7: {  	[sflag:s29] =	ssyncadd.s32 $0xFFFFFFFF  }
0xb8: {  	_ =	strace $0x90000048  }
0xb9: {  	_ =	sfence  }
0xba: {  	s30 =	sld [smem:$0x0];
	_ =	sdelay $0x2  }
0xbb: {  	s31 =	sshll.u32 s1, $0xD;
	s1 =	sshrl.u32 s1, $0x2  }
0xbc: {  	s3 =	sand.u32 $0x4000, s31;
	s1 =	sadd.s32 s1, s30  }
0xbd: {  	s0 =	sor.u32 s3, s0;
	s1 =	sshll.u32 s1, $0x11  }
0xbe: {  	s0 =	sor.u32 s1, s0  }
0xbf: {  	s0 =	sadd.s32 $0x8F2B, s0  }
0xc0: {  	[sflag:s0] =	ssyncadd.remote.s32 $0x1  }
0xc1: {  	_ =	sfence.sel $0xFFFF  }
0xc2: {  	[dreg:$0x0] =	wrdreg $0xFFFFFFFF;
	(pc) =	sbr.abs _section_cstart, $3  }
0xc3: {  	[dreg:$0x1] =	wrdreg $0xFFFFFFFF  }
0xc4: {  	_ =	task.clear_ibuf [dreg:s7], $0x2FFFF;
	_ =	strace $0x9FFFFFFF  }
0xc5: {  	(tm) =	ssettm $0x7FFFFFFF  }
tec
execute0_lowered:
.L_overlay_start_1:
0x0: {  	(tag) =	ssettag $0x1  }
0x1: {  	s21 =	rddreg [dreg:$0x0]  }
0x2: {  	s0 =	rddreg [dreg:$0x1]  }
0x3: {  	s22 =	rddreg [dreg:$0x2]  }
0x4: {  	s15 =	rddreg [dreg:$0x3]  }
0x5: {  	s4 =	rddreg [dreg:$0x4]  }
0x6: {  	s6 =	simm.s32 $0x0;
	s1 =	srdreg.scid;
	s3 =	stileid.u32  }
0x7: {  	[smem:$0x7FF] =	sst s6;
	s1 =	sand.u32 $0x1, s1;
	s5 =	sadd.s32 $0x16E00, s0  }
0x8: {  	s23 =	sadd.s32 $0x2E00, s0;
	_ =	strace $0x80000047;
	[dreg:$0x19] =	wrdreg s5  }
0x9: {  	s2 =	smul.u32 $0x280, s3;
	s7 =	sadd.s32 $0x16AE00, s0;
	[dreg:$0x1a] =	wrdreg s23  }
0xa: {  	s25 =	sadd.s32 $0x16DC00, s0;
	s10 =	smul.u32 $0xA0, s3;
	[dreg:$0x1d] =	wrdreg s7  }
0xb: {  	s11 =	sadd.s32 $0x16D600, s0;
	s17 =	smul.u32 $0x50000, s3;
	[dreg:$0x1e] =	wrdreg s25  }
0xc: {  	s14 =	sadd.s32 $0xCAE00, s0;
	s24 =	smul.u32 $0x2800, s1;
	[dreg:$0x1f] =	wrdreg s11  }
0xd: {  	s13 =	sadd.s32 $0x2AE00, s0;
	s26 =	smul.u32 $0xA00, s1;
	[dreg:$0x1c] =	wrdreg s14  }
0xe: {  	s31 =	ssub.s32 $0x2, s1;
	s1 =	sshll.u32 s1, $0x4;
	[dreg:$0x1b] =	wrdreg s13  }
0xf: {  	s23 =	simm.s32 $0x6080;
	s25 =	simm.s32 $0x6100;
	s12 =	sshrl.u32 s31, $0x1  }
0x10: {  	s1 =	sor.u32 s3, s1;
	s11 =	sshrl.u32 s17, $0x2;
	[dreg:$0xa] =	wrdreg s23  }
0x11: {  	[dreg:$0xb] =	wrdreg s25;
	s23 =	simm.s32 $0x6600;
	s25 =	simm.s32 $0x6680  }
0x12: {  	s5 =	sadd.s32 s2, s24;
	s7 =	sadd.s32 s10, s26;
	s20 =	sadd.s32 s11, s22  }
0x13: {  	s24 =	sshll.u32 s3, $0x6;
	s26 =	simm.s32 $0x6180;
	[dreg:$0x14] =	wrdreg s23  }
0x14: {  	s2 =	sadd.s32 s2, s15;
	s1 =	smul.u32 $0xA0, s1;
	[dreg:$0x15] =	wrdreg s25  }
0x15: {  	s8 =	sshll.u32 s5, $0x4;
	s9 =	sshll.u32 s5, $0x1;
	[smem:$0x7F5] =	sst s20  }
0x16: {  	s5 =	sshrl.u32 s5, $0x3;
	s7 =	sshll.u32 s7, $0x7;
	[dreg:$0xc] =	wrdreg s26  }
0x17: {  	s11 =	sor.u32 $0x1C09, s24;
	[smem:$0x7F6] =	sst s2;
	s20 =	simm.s32 $0x6580  }
0x18: {  	s26 =	simm.s32 $0x6700;
	s8 =	sadd.s32 s8, s0;
	[smem:$0x7F8] =	sst s1  }
0x19: {  	s9 =	sadd.s32 s9, s0;
	s0 =	sadd.s32 s5, s0;
	[dreg:$0x13] =	wrdreg s20  }
0x1a: {  	s5 =	ssub.s32 s31, s12;
	s16 =	sadd.s32 s7, s14;
	[dreg:$0x16] =	wrdreg s26  }
0x1b: {  	s31 =	smul.u32 $0xA000, s3;
	s3 =	simm.s32 $0x6200;
	[smem:$0x7FD] =	sst s11  }
0x1c: {  	s12 =	sadd.s32 s7, s13;
	s10 =	sadd.s32 $0x80, s16;
	[dreg:$0xd] =	wrdreg s3  }
0x1d: {  	s7 =	sor.u32 $0x100, s7;
	s18 =	sadd.s32 $0x80, s12;
	[dreg:$0x6] =	wrdreg s10  }
0x1e: {  	s28 =	simm.s32 $0x4;
	s19 =	sadd.s32 s7, s14;
	[dreg:$0x7] =	wrdreg s18  }
0x1f: {  	s29 =	simm.s32 $0x6;
	s7 =	sadd.s32 s7, s13;
	[dreg:$0x8] =	wrdreg s19  }
0x20: {  	s30 =	simm.s32 $0x7;
	s12 =	simm.s32 $0x6300;
	[dreg:$0x9] =	wrdreg s7  }
0x21: {  	s25 =	simm.s32 $0x40;
	s14 =	simm.s32 $0x6380;
	[dreg:$0xf] =	wrdreg s12  }
0x22: {  	s20 =	simm.s32 $0x2000;
	s17 =	sadd.s32 $0x178800, s8;
	[dreg:$0x10] =	wrdreg s14  }
0x23: {  	s26 =	simm.s32 $0x2;
	s16 =	simm.s32 $0x6480;
	[smem:$0x7F9] =	sst s17  }
0x24: {  	s1 =	simm.s32 $0x0;
	s0 =	sadd.s32 $0x177E00, s0;
	[dreg:$0x11] =	wrdreg s16  }
0x25: {  	s24 =	smax.u32 s5, $0x1;
	s7 =	simm.s32 $0x6280;
	[smem:$0x7FB] =	sst s0  }
0x26: {  	s10 =	sshrl.u32 s31, $0x2;
	s18 =	simm.s32 $0x6500;
	[smem:$0x7FC] =	sst s24  }
0x27: {  	s19 =	sadd.s32 $0x16DE00, s9;
	s12 =	simm.s32 $0x9;
	[dreg:$0xe] =	wrdreg s7  }
0x28: {  	s31 =	simm.s32 $0x6780;
	s24 =	simm.s32 $0x6000;
	[smem:$0x7FA] =	sst s19  }
0x29: {  	s14 =	simm.s32 $0x1;
	s16 =	simm.s32 $0x3;
	[dreg:$0x12] =	wrdreg s18  }
0x2a: {  	s17 =	simm.s32 $0x5;
	s13 =	sadd.s32 s10, s4;
	[dreg:$0x17] =	wrdreg s31  }
0x2b: {  	v0 =	vimm.f32 $1.000000000e+00;
	s19 =	simm.s32 $0x80;
	[smem:$0x7F7] =	sst s13;
	s13 =	simm.s32 $0x6800  }
.LBB2_1:
0x2c: {  	s0 =	sld [smem:$0x7F5];
	_ =	sdelay $0x1  }
0x2d: {  	[smem:$0x7F1] =	sst s1  }
0x2e: {  	s5 =	rddreg [dreg:$0x1d];
	s3 =	sshrl.u32 s0, $0x3  }
0x2f: {  	[smem:$0x7F2] =	sst s3  }
0x30: {  	[spmem:s3], [sflag:s11] =	dma.local [hbm:s5], $0x2800  }
0x31: {  	_ =	swait.ge [sflag:s12], $0x2800  }
0x32: {  	s7 =	sld [smem:$0x7F6];
	_ =	sdelay $0x2  }
0x33: {  	[sflag:s12] =	ssyncset.done $0x0;
	s9 =	rddreg [dreg:$0x1e];
	s8 =	sshrl.u32 s7, $0x3  }
0x34: {  	[sflag:s12] =	ssyncadd.s32 $0xFFFFD800;
	[smem:$0x7F3] =	sst s8  }
0x35: {  	[spmem:s8], [sflag:s11] =	dma.local [hbm:s9], $0x50  }
0x36: {  	_ =	swait.ge [sflag:s12], $0x50  }
0x37: {  	s10 =	sld [smem:$0x7F7];
	_ =	sdelay $0x2  }
0x38: {  	[sflag:s12] =	ssyncset.done $0x0;
	s23 =	rddreg [dreg:$0x1f];
	s18 =	sshrl.u32 s10, $0x3  }
0x39: {  	[sflag:s12] =	ssyncadd.s32 $0xFFFFFFB0;
	[smem:$0x7F4] =	sst s18  }
0x3a: {  	[spmem:s18], [sflag:s11] =	dma.local [hbm:s23], $0x500  }
0x3b: {  	_ =	swait.ge [sflag:s12], $0x500  }
0x3c: {  	[sflag:s12] =	ssyncset.done $0x0  }
0x3d: {  	[sflag:s12] =	ssyncadd.s32 $0xFFFFFB00  }
0x3e: {  	[tilespmem:$0x7000] =	vst v0  }
0x3f: {  	[tilespmem:$0x7010] =	vst v0  }
0x40: {  	[tilespmem:$0x7020] =	vst v0  }
0x41: {  	[tilespmem:$0x7030] =	vst v0  }
0x42: {  	s31 =	simm.s32 $0x0;
	[bflag:$0x0] =	sbarrier.arrive $0xFFFF  }
0x43: {  	s8 =	simm.s32 $0x0;
	[dreg:$0x18] =	wrdreg s31  }
.LBB2_2:
0x44: {  	s1 =	sld [smem:$0x7F8]  }
0x45: {  	s7 =	rddreg [dreg:$0x18]  }
0x46: {  	s0 =	sshll.u32 s7, $0x5  }
0x47: {  	s1 =	sadd.s32 s1, s0  }
0x48: {  	s3 =	rddreg [dreg:$0x19];
	s2 =	sshll.u32 s1, $0x4  }
0x49: {  	s0 =	simm.s32 $0x0;
	s5 =	sadd.s32 s3, s2  }
0x4a: {  	[tilespmem:s0], [sflag:$0x9] =	stream.linear.gather [hbm4b:s5+s0], $0x1000, $0x38;
	[tilespmem:$0x1DB00] =	vst v63  }
0x4b: {  	_ =	swait.ge [sflag:s12], $0x1000  }
0x4c: {  	[sflag:s12] =	ssyncset.done $0x0;
	s3 =	rddreg [dreg:$0x1a]  }
0x4d: {  	s5 =	simm.s32 $0x1000;
	[sflag:s12] =	ssyncadd.s32 $0xFFFFF000;
	s2 =	sadd.s32 s3, s2  }
0x4e: {  	[tilespmem:s5], [sflag:$0x9] =	stream.linear.gather [hbm4b:s2+s0], $0x1000, $0x38;
	[tilespmem:$0x1DB00] =	vst v63  }
0x4f: {  	_ =	swait.ge [sflag:s12], $0x1000  }
0x50: {  	[sflag:s12] =	ssyncset.done $0x0  }
0x51: {  	s1 =	sshll.u32 s1, $0x7;
	s9 =	rddreg [dreg:$0x1b];
	[sflag:s12] =	ssyncadd.s32 $0xFFFFF000  }
0x52: {  	[tilespmem:s20], [sflag:$0x1] =	stream.indirect.gather [hbm4b:s21+s25], $0x80, s0, s25, $0xb8;
	[tilespmem:$0x1DB00] =	vst v63  }
0x53: {  	s10 =	rddreg [dreg:$0x1c];
	s2 =	sadd.s32 s9, s1  }
0x54: {  	[tilespmem:s24], [sflag:$0x3] =	stream.linear.gather [hbm4b:s2+s0], $0x400, $0x38;
	[tilespmem:$0x1DB00] =	vst v63  }
0x55: {  	s1 =	sadd.s32 s10, s1  }
0x56: {  	[tilespmem:s13], [sflag:$0x5] =	stream.linear.gather [hbm4b:s1+s0], $0x80, $0x38;
	[tilespmem:$0x1DB00] =	vst v63  }
0x57: {  	s3 =	simm.s32 $0x6900;
	s2 =	sadd.s32 $0x10, s1  }
0x58: {  	[tilespmem:s3], [sflag:$0x5] =	stream.linear.gather [hbm4b:s2+s0], $0x80, $0x38;
	[tilespmem:$0x1DB00] =	vst v63  }
0x59: {  	s9 =	simm.s32 $0x6A00;
	s11 =	sadd.s32 $0x20, s1  }
0x5a: {  	[tilespmem:s9], [sflag:$0x5] =	stream.linear.gather [hbm4b:s11+s0], $0x80, $0x38;
	[tilespmem:$0x1DB00] =	vst v63  }
0x5b: {  	s10 =	simm.s32 $0x6B00;
	s12 =	sadd.s32 $0x30, s1  }
0x5c: {  	[tilespmem:s10], [sflag:$0x5] =	stream.linear.gather [hbm4b:s12+s0], $0x80, $0x38;
	[tilespmem:$0x1DB00] =	vst v63  }
0x5d: {  	s18 =	sadd.s32 $0x40, s1;
	s11 =	simm.s32 $0x6C00  }
0x5e: {  	[tilespmem:s11], [sflag:$0x5] =	stream.linear.gather [hbm4b:s18+s0], $0x80, $0x38;
	[tilespmem:$0x1DB00] =	vst v63  }
0x5f: {  	s23 =	sadd.s32 $0x50, s1;
	s12 =	simm.s32 $0x6D00  }
0x60: {  	[tilespmem:s12], [sflag:$0x5] =	stream.linear.gather [hbm4b:s23+s0], $0x80, $0x38;
	[tilespmem:$0x1DB00] =	vst v63  }
0x61: {  	s31 =	sadd.s32 $0x60, s1;
	s18 =	simm.s32 $0x6E00  }
0x62: {  	[tilespmem:s18], [sflag:$0x5] =	stream.linear.gather [hbm4b:s31+s0], $0x80, $0x38;
	[tilespmem:$0x1DB00] =	vst v63  }
0x63: {  	s1 =	sadd.s32 $0x70, s1;
	s23 =	simm.s32 $0x6F00  }
0x64: {  	[tilespmem:s23], [sflag:$0x5] =	stream.linear.gather [hbm4b:s1+s0], $0x80, $0x38;
	[tilespmem:$0x1DB00] =	vst v63  }
0x65: {  	_ =	swait.ge [sflag:s14], $0x2000  }
0x66: {  	[sflag:s14] =	ssyncset.done $0x0  }
0x67: {  	[sflag:s14] =	ssyncadd.s32 $0xFFFFE000  }
0x68: {  	_ =	swait.ge [sflag:s16], $0x400  }
0x69: {  	[sflag:s16] =	ssyncset.done $0x0  }
0x6a: {  	[sflag:s16] =	ssyncadd.s32 $0xFFFFFC00  }
0x6b: {  	_ =	swait.ge [sflag:s17], $0x400  }
0x6c: {  	[sflag:s17] =	ssyncset.done $0x0  }
0x6d: {  	s1 =	simm.s32 $0x1000;
	[sflag:s17] =	ssyncadd.s32 $0xFFFFFC00  }
0x6e: {  	[spmem:s22] =	stream.indirect.scatter.add.f32 [tilespmem:s20], [sflag:$0x7], $0x80, s1, s25, $0xb8;
	[tilespmem:$0x1DB00] =	vst v63  }
0x6f: {  	_ = 	snop  }
0x70: {  	[spmem:s4] =	stream.indirect.scatter.add.f32 [tilespmem:s13], [sflag:$0x7], $0x1, s24, s19, $0xb8;
	[tilespmem:$0x1DB00] =	vst v63  }
0x71: {  	s5 =	rddreg [dreg:$0xa]  }
0x72: {  	[spmem:s4] =	stream.indirect.scatter.add.f32 [tilespmem:s3], [sflag:$0x7], $0x1, s5, s19, $0xb8;
	[tilespmem:$0x1DB00] =	vst v63  }
0x73: {  	s31 =	rddreg [dreg:$0xb]  }
0x74: {  	[spmem:s4] =	stream.indirect.scatter.add.f32 [tilespmem:s9], [sflag:$0x7], $0x1, s31, s19, $0xb8;
	[tilespmem:$0x1DB00] =	vst v63  }
0x75: {  	s3 =	rddreg [dreg:$0xc]  }
0x76: {  	[spmem:s4] =	stream.indirect.scatter.add.f32 [tilespmem:s10], [sflag:$0x7], $0x1, s3, s19, $0xb8;
	[tilespmem:$0x1DB00] =	vst v63  }
0x77: {  	s9 =	rddreg [dreg:$0xd]  }
0x78: {  	[spmem:s4] =	stream.indirect.scatter.add.f32 [tilespmem:s11], [sflag:$0x7], $0x1, s9, s19, $0xb8;
	[tilespmem:$0x1DB00] =	vst v63  }
0x79: {  	s10 =	rddreg [dreg:$0xe]  }
0x7a: {  	[spmem:s4] =	stream.indirect.scatter.add.f32 [tilespmem:s12], [sflag:$0x7], $0x1, s10, s19, $0xb8;
	[tilespmem:$0x1DB00] =	vst v63  }
0x7b: {  	s11 =	rddreg [dreg:$0xf]  }
0x7c: {  	[spmem:s4] =	stream.indirect.scatter.add.f32 [tilespmem:s18], [sflag:$0x7], $0x1, s11, s19, $0xb8;
	[tilespmem:$0x1DB00] =	vst v63  }
0x7d: {  	s13 =	rddreg [dreg:$0x10];
	s31 =	sor.u32 s7, s0  }
0x7e: {  	[spmem:s4] =	stream.indirect.scatter.add.f32 [tilespmem:s23], [sflag:$0x7], $0x1, s13, s19, $0xb8;
	[tilespmem:$0x1DB00] =	vst v63  }
0x7f: {  	p0 =	seq.s32 s31, $0x0;
	s11 =	simm.s32 $0x7000  }
0x80: {  	[spmem:s15] =	stream.indirect.scatter.add.f32 [tilespmem:s11], [sflag:$0x7], $0x1, s1, s25, $0xb8;
	[tilespmem:$0x1DB00] =	vst v63  }
0x81: {  	s1 =	simm.s32 @!p0 $0x8  }
0x82: {  	_ =	swait.ge @!p0 [sflag:s1], $0x2000  }
0x83: {  	[sflag:s1] =	ssyncset.done @!p0 $0x0  }
0x84: {  	[sflag:s1] =	ssyncadd.s32 @!p0 $0xFFFFE000  }
0x85: {  	_ =	swait.ge @!p0 [sflag:s1], $0x400  }
0x86: {  	[sflag:s1] =	ssyncset.done @!p0 $0x0  }
0x87: {  	[sflag:s1] =	ssyncadd.s32 @!p0 $0xFFFFFC00  }
0x88: {  	_ =	swait.ge @!p0 [sflag:s1], $0x40  }
0x89: {  	s7 =	simm.s32 $0x80;
	[sflag:s1] =	ssyncset.done @!p0 $0x0  }
0x8a: {  	s12 =	simm.s32 $0x4000;
	s3 =	rddreg [dreg:$0x7];
	[sflag:s1] =	ssyncadd.s32 @!p0 $0xFFFFFFC0  }
0x8b: {  	[tilespmem:s12], [sflag:$0x2] =	stream.indirect.gather [hbm4b:s21+s25], $0x80, s7, s25, $0xb8;
	[tilespmem:$0x1DB00] =	vst v63  }
0x8c: {  	s5 =	simm.s32 $0x6400;
	s9 =	rddreg [dreg:$0x6];
	s2 =	sadd.s32 s8, s3  }
0x8d: {  	[tilespmem:s5], [sflag:$0x4] =	stream.linear.gather [hbm4b:s2+s6], $0x400, $0x38;
	[tilespmem:$0x1DB00] =	vst v63  }
0x8e: {  	s13 =	simm.s32 $0x6880;
	s1 =	sadd.s32 s8, s9  }
0x8f: {  	[tilespmem:s13], [sflag:$0x6] =	stream.linear.gather [hbm4b:s1+s6], $0x80, $0x38;
	[tilespmem:$0x1DB00] =	vst v63  }
0x90: {  	s18 =	simm.s32 $0x6980;
	s10 =	sadd.s32 $0x10, s1  }
0x91: {  	[tilespmem:s18], [sflag:$0x6] =	stream.linear.gather [hbm4b:s10+s6], $0x80, $0x38;
	[tilespmem:$0x1DB00] =	vst v63  }
0x92: {  	s23 =	sadd.s32 $0x20, s1;
	s7 =	simm.s32 $0x6A80  }
0x93: {  	[tilespmem:s7], [sflag:$0x6] =	stream.linear.gather [hbm4b:s23+s6], $0x80, $0x38;
	[tilespmem:$0x1DB00] =	vst v63  }
0x94: {  	s31 =	sadd.s32 $0x30, s1;
	s23 =	simm.s32 $0x6B80  }
0x95: {  	[tilespmem:s23], [sflag:$0x6] =	stream.linear.gather [hbm4b:s31+s6], $0x80, $0x38;
	[tilespmem:$0x1DB00] =	vst v63  }
0x96: {  	s9 =	simm.s32 $0x6C80;
	s3 =	sadd.s32 $0x40, s1  }
0x97: {  	[tilespmem:s9], [sflag:$0x6] =	stream.linear.gather [hbm4b:s3+s6], $0x80, $0x38;
	[tilespmem:$0x1DB00] =	vst v63  }
0x98: {  	s10 =	sadd.s32 $0x50, s1;
	s3 =	smov.u32 s8;
	s8 =	simm.s32 $0x6D80  }
0x99: {  	[tilespmem:s8], [sflag:$0x6] =	stream.linear.gather [hbm4b:s10+s6], $0x80, $0x38;
	[tilespmem:$0x1DB00] =	vst v63  }
0x9a: {  	s31 =	sadd.s32 $0x60, s1;
	s10 =	simm.s32 $0x6E80  }
0x9b: {  	[tilespmem:s10], [sflag:$0x6] =	stream.linear.gather [hbm4b:s31+s6], $0x80, $0x38;
	[tilespmem:$0x1DB00] =	vst v63  }
0x9c: {  	s1 =	sadd.s32 $0x70, s1;
	s31 =	simm.s32 $0x6F80  }
0x9d: {  	[tilespmem:s31], [sflag:$0x6] =	stream.linear.gather [hbm4b:s1+s6], $0x80, $0x38;
	[tilespmem:$0x1DB00] =	vst v63  }
0x9e: {  	_ =	swait.ge [sflag:s26], $0x2000  }
0x9f: {  	[sflag:s26] =	ssyncset.done $0x0  }
0xa0: {  	[sflag:s26] =	ssyncadd.s32 $0xFFFFE000  }
0xa1: {  	_ =	swait.ge [sflag:s28], $0x400  }
0xa2: {  	[sflag:s28] =	ssyncset.done $0x0  }
0xa3: {  	[sflag:s28] =	ssyncadd.s32 $0xFFFFFC00  }
0xa4: {  	_ =	swait.ge [sflag:s29], $0x400  }
0xa5: {  	[sflag:s29] =	ssyncset.done $0x0  }
0xa6: {  	s1 =	simm.s32 $0x1080;
	[sflag:s29] =	ssyncadd.s32 $0xFFFFFC00  }
0xa7: {  	[spmem:s22] =	stream.indirect.scatter.add.f32 [tilespmem:s12], [sflag:$0x8], $0x80, s1, s25, $0xb8;
	[tilespmem:$0x1DB00] =	vst v63  }
0xa8: {  	_ = 	snop  }
0xa9: {  	[spmem:s4] =	stream.indirect.scatter.add.f32 [tilespmem:s13], [sflag:$0x8], $0x1, s5, s19, $0xb8;
	[tilespmem:$0x1DB00] =	vst v63  }
0xaa: {  	s12 =	rddreg [dreg:$0x11]  }
0xab: {  	[spmem:s4] =	stream.indirect.scatter.add.f32 [tilespmem:s18], [sflag:$0x8], $0x1, s12, s19, $0xb8;
	[tilespmem:$0x1DB00] =	vst v63  }
0xac: {  	s13 =	rddreg [dreg:$0x12]  }
0xad: {  	[spmem:s4] =	stream.indirect.scatter.add.f32 [tilespmem:s7], [sflag:$0x8], $0x1, s13, s19, $0xb8;
	[tilespmem:$0x1DB00] =	vst v63  }
0xae: {  	s18 =	rddreg [dreg:$0x13]  }
0xaf: {  	[spmem:s4] =	stream.indirect.scatter.add.f32 [tilespmem:s23], [sflag:$0x8], $0x1, s18, s19, $0xb8;
	[tilespmem:$0x1DB00] =	vst v63  }
0xb0: {  	s12 =	rddreg [dreg:$0x14]  }
0xb1: {  	[spmem:s4] =	stream.indirect.scatter.add.f32 [tilespmem:s9], [sflag:$0x8], $0x1, s12, s19, $0xb8;
	[tilespmem:$0x1DB00] =	vst v63  }
0xb2: {  	s13 =	rddreg [dreg:$0x15]  }
0xb3: {  	[spmem:s4] =	stream.indirect.scatter.add.f32 [tilespmem:s8], [sflag:$0x8], $0x1, s13, s19, $0xb8;
	[tilespmem:$0x1DB00] =	vst v63  }
0xb4: {  	s18 =	rddreg [dreg:$0x16]  }
0xb5: {  	[spmem:s4] =	stream.indirect.scatter.add.f32 [tilespmem:s10], [sflag:$0x8], $0x1, s18, s19, $0xb8;
	[tilespmem:$0x1DB00] =	vst v63  }
0xb6: {  	s23 =	rddreg [dreg:$0x17]  }
0xb7: {  	[spmem:s4] =	stream.indirect.scatter.add.f32 [tilespmem:s31], [sflag:$0x8], $0x1, s23, s19, $0xb8;
	[tilespmem:$0x1DB00] =	vst v63  }
0xb8: {  	_ = 	snop  }
0xb9: {  	[spmem:s15] =	stream.indirect.scatter.add.f32 [tilespmem:s11], [sflag:$0x8], $0x1, s1, s25, $0xb8;
	[tilespmem:$0x1DB00] =	vst v63  }
0xba: {  	_ =	swait.ge [sflag:s30], $0x2000  }
0xbb: {  	[sflag:s30] =	ssyncset.done $0x0  }
0xbc: {  	[sflag:s30] =	ssyncadd.s32 $0xFFFFE000  }
0xbd: {  	_ =	swait.ge [sflag:s30], $0x400  }
0xbe: {  	p6 =	por $0x0, $0x0;
	[sflag:s30] =	ssyncset.done $0x0  }
0xbf: {  	p0 =	por p6, p6;
	[sflag:s30] =	ssyncadd.s32 $0xFFFFFC00  }
0xc0: {  	s2 =	simm.s32 @!p0 $0x2000;
	_ =	swait.ge [sflag:s30], $0x40  }
0xc1: {  	s1 =	simm.s32 @!p0 $0x40;
	[sflag:s30] =	ssyncset.done $0x0;
	s5 =	rddreg [dreg:$0x9]  }
0xc2: {  	s11 =	simm.s32 @!p0 $0x100;
	s12 =	rddreg [dreg:$0x8];
	[sflag:s30] =	ssyncadd.s32 $0xFFFFFFC0  }
0xc3: {  	[tilespmem:s2], [sflag:$0x1] =	stream.indirect.gather @!p0 [hbm4b:s21+s1], $0x80, s11, s1, $0xb8;
	[tilespmem:$0x1DB00] =	vst v63  }
0xc4: {  	s2 =	sadd.s32 @!p0 s3, s5;
	s1 =	simm.s32 @!p0 $0x0;
	s5 =	simm.s32 @!p0 $0x6000  }
0xc5: {  	[tilespmem:s5], [sflag:$0x3] =	stream.linear.gather @!p0 [hbm4b:s2+s1], $0x400, $0x38;
	[tilespmem:$0x1DB00] =	vst v63  }
0xc6: {  	s2 =	sadd.s32 @!p0 s3, s12;
	s5 =	simm.s32 @!p0 $0x6800  }
0xc7: {  	[tilespmem:s5], [sflag:$0x5] =	stream.linear.gather @!p0 [hbm4b:s2+s1], $0x80, $0x38;
	[tilespmem:$0x1DB00] =	vst v63  }
0xc8: {  	s11 =	sadd.s32 @!p0 $0x10, s2;
	s5 =	simm.s32 @!p0 $0x6900  }
0xc9: {  	[tilespmem:s5], [sflag:$0x5] =	stream.linear.gather @!p0 [hbm4b:s11+s1], $0x80, $0x38;
	[tilespmem:$0x1DB00] =	vst v63  }
0xca: {  	s5 =	sadd.s32 @!p0 $0x20, s2;
	s11 =	simm.s32 @!p0 $0x6A00  }
0xcb: {  	[tilespmem:s11], [sflag:$0x5] =	stream.linear.gather @!p0 [hbm4b:s5+s1], $0x80, $0x38;
	[tilespmem:$0x1DB00] =	vst v63  }
0xcc: {  	s5 =	sadd.s32 @!p0 $0x30, s2;
	s11 =	simm.s32 @!p0 $0x6B00  }
0xcd: {  	[tilespmem:s11], [sflag:$0x5] =	stream.linear.gather @!p0 [hbm4b:s5+s1], $0x80, $0x38;
	[tilespmem:$0x1DB00] =	vst v63  }
0xce: {  	[smem:$0x7F0] =	sst s3;
	s5 =	sadd.s32 @!p0 $0x40, s2;
	s11 =	simm.s32 @!p0 $0x6C00  }
0xcf: {  	[tilespmem:s11], [sflag:$0x5] =	stream.linear.gather @!p0 [hbm4b:s5+s1], $0x80, $0x38;
	[tilespmem:$0x1DB00] =	vst v63  }
0xd0: {  	s12 =	simm.s32 $0x3;
	s5 =	sadd.s32 @!p0 $0x50, s2;
	s11 =	simm.s32 @!p0 $0x6D00  }
0xd1: {  	[tilespmem:s11], [sflag:$0x5] =	stream.linear.gather @!p0 [hbm4b:s5+s1], $0x80, $0x38;
	[tilespmem:$0x1DB00] =	vst v63  }
0xd2: {  	s13 =	sadd.s32 @!p0 $0x70, s2;
	s5 =	sadd.s32 @!p0 $0x60, s2;
	s11 =	simm.s32 @!p0 $0x6E00  }
0xd3: {  	[tilespmem:s11], [sflag:$0x5] =	stream.linear.gather @!p0 [hbm4b:s5+s1], $0x80, $0x38;
	[tilespmem:$0x1DB00] =	vst v63  }
0xd4: {  	s2 =	simm.s32 @!p0 $0x6F00;
	s5 =	simm.s32 $0x400;
	s11 =	sadd.s32 $0x100, s3  }
.LBB2_3:
0xd5: {  	[tilespmem:s2], [sflag:$0x5] =	stream.linear.gather @!p0 [hbm4b:s13+s1], $0x80, $0x38;
	[tilespmem:$0x1DB00] =	vst v63  }
0xd6: {  	_ =	swait.ge [sflag:s14], $0x2000  }
0xd7: {  	[sflag:s14] =	ssyncset.done $0x0  }
0xd8: {  	[sflag:s14] =	ssyncadd.s32 $0xFFFFE000  }
0xd9: {  	_ =	swait.ge [sflag:s16], $0x400  }
0xda: {  	[sflag:s16] =	ssyncset.done $0x0  }
0xdb: {  	[sflag:s16] =	ssyncadd.s32 $0xFFFFFC00  }
0xdc: {  	s3 =	smov.u32 s5;
	_ =	swait.ge [sflag:s17], $0x400  }
0xdd: {  	s1 =	sshra.s32 s3, $0x2;
	[sflag:s17] =	ssyncset.done $0x0  }
0xde: {  	s2 =	sadd.s32 $0x1000, s1;
	[sflag:s17] =	ssyncadd.s32 $0xFFFFFC00  }
0xdf: {  	[spmem:s22] =	stream.indirect.scatter.add.f32 [tilespmem:s20], [sflag:$0x7], $0x80, s2, s25, $0xb8;
	[tilespmem:$0x1DB00] =	vst v63  }
0xe0: {  	s7 =	simm.s32 $0x6800;
	s10 =	rddreg [dreg:$0xa]  }
0xe1: {  	[spmem:s4] =	stream.indirect.scatter.add.f32 [tilespmem:s7], [sflag:$0x7], $0x1, s24, s19, $0xb8;
	[tilespmem:$0x1DB00] =	vst v63  }
0xe2: {  	s16 =	simm.s32 $0x6900;
	s14 =	rddreg [dreg:$0xb]  }
0xe3: {  	[spmem:s4] =	stream.indirect.scatter.add.f32 [tilespmem:s16], [sflag:$0x7], $0x1, s10, s19, $0xb8;
	[tilespmem:$0x1DB00] =	vst v63  }
0xe4: {  	s18 =	simm.s32 $0x6A00;
	s23 =	rddreg [dreg:$0xd]  }
0xe5: {  	[spmem:s4] =	stream.indirect.scatter.add.f32 [tilespmem:s18], [sflag:$0x7], $0x1, s14, s19, $0xb8;
	[tilespmem:$0x1DB00] =	vst v63  }
0xe6: {  	s31 =	simm.s32 $0x6B00;
	s17 =	rddreg [dreg:$0xc]  }
0xe7: {  	[spmem:s4] =	stream.indirect.scatter.add.f32 [tilespmem:s31], [sflag:$0x7], $0x1, s17, s19, $0xb8;
	[tilespmem:$0x1DB00] =	vst v63  }
0xe8: {  	p2 =	sgt.u32 s12, $0x1E;
	s8 =	simm.s32 $0x6C00;
	s9 =	rddreg [dreg:$0xf]  }
0xe9: {  	[spmem:s4] =	stream.indirect.scatter.add.f32 [tilespmem:s8], [sflag:$0x7], $0x1, s23, s19, $0xb8;
	[tilespmem:$0x1DB00] =	vst v63  }
0xea: {  	s0 =	sadd.s32 $0x1, s0;
	s7 =	rddreg [dreg:$0xe];
	s10 =	simm.s32 $0x6D00  }
0xeb: {  	[spmem:s4] =	stream.indirect.scatter.add.f32 [tilespmem:s10], [sflag:$0x7], $0x1, s7, s19, $0xb8;
	[tilespmem:$0x1DB00] =	vst v63  }
0xec: {  	s13 =	sshra.s32 @!p2 s3, $0x2;
	s16 =	simm.s32 $0x6E00;
	s17 =	rddreg [dreg:$0x18]  }
0xed: {  	[spmem:s4] =	stream.indirect.scatter.add.f32 [tilespmem:s16], [sflag:$0x7], $0x1, s9, s19, $0xb8;
	[tilespmem:$0x1DB00] =	vst v63  }
0xee: {  	s14 =	rddreg [dreg:$0x10];
	s18 =	simm.s32 $0x6F00;
	s20 =	sor.u32 s17, s0  }
0xef: {  	[spmem:s4] =	stream.indirect.scatter.add.f32 [tilespmem:s18], [sflag:$0x7], $0x1, s14, s19, $0xb8;
	[tilespmem:$0x1DB00] =	vst v63  }
0xf0: {  	p0 =	por p2, p2;
	s24 =	simm.s32 $0x7000;
	p2 =	seq.s32 s20, $0x0  }
0xf1: {  	[spmem:s15] =	stream.indirect.scatter.add.f32 [tilespmem:s24], [sflag:$0x7], $0x1, s2, s25, $0xb8;
	[tilespmem:$0x1DB00] =	vst v63  }
0xf2: {  	s2 =	simm.s32 @!p2 $0x8  }
0xf3: {  	_ =	swait.ge @!p2 [sflag:s2], $0x2000  }
0xf4: {  	[sflag:s2] =	ssyncset.done @!p2 $0x0  }
0xf5: {  	[sflag:s2] =	ssyncadd.s32 @!p2 $0xFFFFE000  }
0xf6: {  	_ =	swait.ge @!p2 [sflag:s2], $0x400  }
0xf7: {  	[sflag:s2] =	ssyncset.done @!p2 $0x0  }
0xf8: {  	[sflag:s2] =	ssyncadd.s32 @!p2 $0xFFFFFC00  }
0xf9: {  	_ =	swait.ge @!p2 [sflag:s2], $0x40  }
0xfa: {  	s20 =	sadd.s32 $0x80, s1;
	[sflag:s2] =	ssyncset.done @!p2 $0x0  }
0xfb: {  	s18 =	simm.s32 $0x4000;
	s23 =	rddreg [dreg:$0x7];
	[sflag:s2] =	ssyncadd.s32 @!p2 $0xFFFFFFC0  }
0xfc: {  	[tilespmem:s18], [sflag:$0x2] =	stream.indirect.gather [hbm4b:s21+s25], $0x80, s20, s25, $0xb8;
	[tilespmem:$0x1DB00] =	vst v63  }
0xfd: {  	s31 =	rddreg [dreg:$0x6];
	s7 =	sadd.s32 s11, s23;
	s23 =	simm.s32 $0x6400  }
0xfe: {  	[tilespmem:s23], [sflag:$0x4] =	stream.linear.gather [hbm4b:s7+s6], $0x400, $0x38;
	[tilespmem:$0x1DB00] =	vst v63  }
0xff: {  	s2 =	sadd.s32 s11, s31;
	s31 =	simm.s32 $0x6880  }
0x100: {  	[tilespmem:s31], [sflag:$0x6] =	stream.linear.gather [hbm4b:s2+s6], $0x80, $0x38;
	[tilespmem:$0x1DB00] =	vst v63  }
0x101: {  	s8 =	sadd.s32 $0x10, s2;
	s7 =	simm.s32 $0x6980  }
0x102: {  	[tilespmem:s7], [sflag:$0x6] =	stream.linear.gather [hbm4b:s8+s6], $0x80, $0x38;
	[tilespmem:$0x1DB00] =	vst v63  }
0x103: {  	s9 =	sadd.s32 $0x20, s2;
	s8 =	simm.s32 $0x6A80  }
0x104: {  	[tilespmem:s8], [sflag:$0x6] =	stream.linear.gather [hbm4b:s9+s6], $0x80, $0x38;
	[tilespmem:$0x1DB00] =	vst v63  }
0x105: {  	s10 =	sadd.s32 $0x30, s2;
	s9 =	simm.s32 $0x6B80  }
0x106: {  	[tilespmem:s9], [sflag:$0x6] =	stream.linear.gather [hbm4b:s10+s6], $0x80, $0x38;
	[tilespmem:$0x1DB00] =	vst v63  }
0x107: {  	s14 =	sadd.s32 $0x40, s2;
	s10 =	simm.s32 $0x6C80  }
0x108: {  	[tilespmem:s10], [sflag:$0x6] =	stream.linear.gather [hbm4b:s14+s6], $0x80, $0x38;
	[tilespmem:$0x1DB00] =	vst v63  }
0x109: {  	s16 =	sadd.s32 $0x50, s2;
	s14 =	simm.s32 $0x6D80  }
0x10a: {  	[tilespmem:s14], [sflag:$0x6] =	stream.linear.gather [hbm4b:s16+s6], $0x80, $0x38;
	[tilespmem:$0x1DB00] =	vst v63  }
0x10b: {  	s17 =	sadd.s32 $0x60, s2;
	s16 =	simm.s32 $0x6E80  }
0x10c: {  	[tilespmem:s16], [sflag:$0x6] =	stream.linear.gather [hbm4b:s17+s6], $0x80, $0x38;
	[tilespmem:$0x1DB00] =	vst v63  }
0x10d: {  	s2 =	sadd.s32 $0x70, s2;
	s17 =	simm.s32 $0x6F80  }
0x10e: {  	[tilespmem:s17], [sflag:$0x6] =	stream.linear.gather [hbm4b:s2+s6], $0x80, $0x38;
	[tilespmem:$0x1DB00] =	vst v63  }
0x10f: {  	_ =	swait.ge [sflag:s26], $0x2000  }
0x110: {  	[sflag:s26] =	ssyncset.done $0x0  }
0x111: {  	[sflag:s26] =	ssyncadd.s32 $0xFFFFE000  }
0x112: {  	_ =	swait.ge [sflag:s28], $0x400  }
0x113: {  	[sflag:s28] =	ssyncset.done $0x0  }
0x114: {  	[sflag:s28] =	ssyncadd.s32 $0xFFFFFC00  }
0x115: {  	_ =	swait.ge [sflag:s29], $0x400  }
0x116: {  	[sflag:s29] =	ssyncset.done $0x0  }
0x117: {  	s1 =	sadd.s32 $0x1080, s1;
	[sflag:s29] =	ssyncadd.s32 $0xFFFFFC00  }
0x118: {  	[spmem:s22] =	stream.indirect.scatter.add.f32 [tilespmem:s18], [sflag:$0x8], $0x80, s1, s25, $0xb8;
	[tilespmem:$0x1DB00] =	vst v63  }
0x119: {  	_ = 	snop  }
0x11a: {  	[spmem:s4] =	stream.indirect.scatter.add.f32 [tilespmem:s31], [sflag:$0x8], $0x1, s23, s19, $0xb8;
	[tilespmem:$0x1DB00] =	vst v63  }
0x11b: {  	s3 =	rddreg [dreg:$0x11]  }
0x11c: {  	[spmem:s4] =	stream.indirect.scatter.add.f32 [tilespmem:s7], [sflag:$0x8], $0x1, s3, s19, $0xb8;
	[tilespmem:$0x1DB00] =	vst v63  }
0x11d: {  	s20 =	rddreg [dreg:$0x12]  }
0x11e: {  	[spmem:s4] =	stream.indirect.scatter.add.f32 [tilespmem:s8], [sflag:$0x8], $0x1, s20, s19, $0xb8;
	[tilespmem:$0x1DB00] =	vst v63  }
0x11f: {  	s31 =	rddreg [dreg:$0x13]  }
0x120: {  	[spmem:s4] =	stream.indirect.scatter.add.f32 [tilespmem:s9], [sflag:$0x8], $0x1, s31, s19, $0xb8;
	[tilespmem:$0x1DB00] =	vst v63  }
0x121: {  	s7 =	rddreg [dreg:$0x14]  }
0x122: {  	[spmem:s4] =	stream.indirect.scatter.add.f32 [tilespmem:s10], [sflag:$0x8], $0x1, s7, s19, $0xb8;
	[tilespmem:$0x1DB00] =	vst v63  }
0x123: {  	s18 =	rddreg [dreg:$0x15]  }
0x124: {  	[spmem:s4] =	stream.indirect.scatter.add.f32 [tilespmem:s14], [sflag:$0x8], $0x1, s18, s19, $0xb8;
	[tilespmem:$0x1DB00] =	vst v63  }
0x125: {  	s23 =	rddreg [dreg:$0x16]  }
0x126: {  	[spmem:s4] =	stream.indirect.scatter.add.f32 [tilespmem:s16], [sflag:$0x8], $0x1, s23, s19, $0xb8;
	[tilespmem:$0x1DB00] =	vst v63  }
0x127: {  	s31 =	rddreg [dreg:$0x17]  }
0x128: {  	[spmem:s4] =	stream.indirect.scatter.add.f32 [tilespmem:s17], [sflag:$0x8], $0x1, s31, s19, $0xb8;
	[tilespmem:$0x1DB00] =	vst v63  }
0x129: {  	_ = 	snop  }
0x12a: {  	[spmem:s15] =	stream.indirect.scatter.add.f32 [tilespmem:s24], [sflag:$0x8], $0x1, s1, s25, $0xb8;
	[tilespmem:$0x1DB00] =	vst v63  }
0x12b: {  	_ =	swait.ge [sflag:s30], $0x2000  }
0x12c: {  	[sflag:s30] =	ssyncset.done $0x0  }
0x12d: {  	[sflag:s30] =	ssyncadd.s32 $0xFFFFE000  }
0x12e: {  	_ =	swait.ge [sflag:s30], $0x400  }
0x12f: {  	[sflag:s30] =	ssyncset.done $0x0  }
0x130: {  	s5 =	sadd.s32 $0x400, s5;
	[sflag:s30] =	ssyncadd.s32 $0xFFFFFC00  }
0x131: {  	s12 =	sadd.s32 $0x2, s12;
	s2 =	simm.s32 @!p0 $0x2000;
	_ =	swait.ge [sflag:s30], $0x40  }
0x132: {  	s3 =	sadd.s32 @!p0 $0x100, s13;
	[sflag:s30] =	ssyncset.done $0x0;
	s13 =	rddreg [dreg:$0x9]  }
0x133: {  	s1 =	simm.s32 @!p0 $0x40;
	s20 =	rddreg [dreg:$0x8];
	[sflag:s30] =	ssyncadd.s32 $0xFFFFFFC0  }
0x134: {  	[tilespmem:s2], [sflag:$0x1] =	stream.indirect.gather @!p0 [hbm4b:s21+s1], $0x80, s3, s1, $0xb8;
	[tilespmem:$0x1DB00] =	vst v63  }
0x135: {  	s2 =	sadd.s32 @!p0 s11, s13;
	s1 =	simm.s32 @!p0 $0x0;
	s3 =	simm.s32 @!p0 $0x6000  }
0x136: {  	[tilespmem:s3], [sflag:$0x3] =	stream.linear.gather @!p0 [hbm4b:s2+s1], $0x400, $0x38;
	[tilespmem:$0x1DB00] =	vst v63  }
0x137: {  	p1 =	sne.s32 s5, $0x4000;
	s2 =	sadd.s32 @!p0 s11, s20;
	s3 =	simm.s32 @!p0 $0x6800  }
0x138: {  	[tilespmem:s3], [sflag:$0x5] =	stream.linear.gather @!p0 [hbm4b:s2+s1], $0x80, $0x38;
	[tilespmem:$0x1DB00] =	vst v63  }
0x139: {  	s14 =	simm.s32 $0x1;
	s13 =	simm.s32 @!p0 $0x6900;
	s3 =	sadd.s32 @!p0 $0x10, s2  }
0x13a: {  	[tilespmem:s13], [sflag:$0x5] =	stream.linear.gather @!p0 [hbm4b:s3+s1], $0x80, $0x38;
	[tilespmem:$0x1DB00] =	vst v63  }
0x13b: {  	s16 =	simm.s32 $0x3;
	s24 =	simm.s32 @!p0 $0x6A00;
	s20 =	sadd.s32 @!p0 $0x20, s2  }
0x13c: {  	[tilespmem:s24], [sflag:$0x5] =	stream.linear.gather @!p0 [hbm4b:s20+s1], $0x80, $0x38;
	[tilespmem:$0x1DB00] =	vst v63  }
0x13d: {  	s17 =	simm.s32 $0x5;
	s3 =	sadd.s32 @!p0 $0x30, s2;
	s13 =	simm.s32 @!p0 $0x6B00  }
0x13e: {  	[tilespmem:s13], [sflag:$0x5] =	stream.linear.gather @!p0 [hbm4b:s3+s1], $0x80, $0x38;
	[tilespmem:$0x1DB00] =	vst v63  }
0x13f: {  	s11 =	sadd.s32 $0x100, s11;
	s20 =	sadd.s32 @!p0 $0x40, s2;
	s24 =	simm.s32 @!p0 $0x6C00  }
0x140: {  	[tilespmem:s24], [sflag:$0x5] =	stream.linear.gather @!p0 [hbm4b:s20+s1], $0x80, $0x38;
	[tilespmem:$0x1DB00] =	vst v63  }
.Ltmp0:
0x141: {  	s3 =	sadd.s32 @!p0 $0x50, s2;
	s13 =	simm.s32 @!p0 $0x6D00;
	(pc) =	sbr.rel @p1 .LBB2_3-.Ltmp0, $4  }
0x142: {  	[tilespmem:s13], [sflag:$0x5] =	stream.linear.gather @!p0 [hbm4b:s3+s1], $0x80, $0x38;
	[tilespmem:$0x1DB00] =	vst v63  }
0x143: {  	s20 =	sadd.s32 @!p0 $0x60, s2;
	s24 =	simm.s32 @!p0 $0x6E00;
	s13 =	sadd.s32 @!p0 $0x70, s2  }
0x144: {  	[tilespmem:s24], [sflag:$0x5] =	stream.linear.gather @!p0 [hbm4b:s20+s1], $0x80, $0x38;
	[tilespmem:$0x1DB00] =	vst v63  }
0x145: {  	s2 =	simm.s32 @!p0 $0x6F00;
	s24 =	simm.s32 $0x6000;
	s20 =	simm.s32 $0x2000  }
0x146: {  	[tilespmem:s2], [sflag:$0x5] =	stream.linear.gather @!p0 [hbm4b:s13+s1], $0x80, $0x38;
	[tilespmem:$0x1DB00] =	vst v63  }
0x147: {  	s0 =	rddreg [dreg:$0x18]  }
0x148: {  	s0 =	sadd.s32 $0x1, s0  }
0x149: {  	p0 =	sne.s32 s0, $0x5  }
.Ltmp1:
0x14a: {  	_ = 	snop;
	(pc) =	sbr.rel @p0 .LBB2_2-.Ltmp1, $3  }
0x14b: {  	s8 =	sld [smem:$0x7F0];
	_ =	sdelay $0x1  }
0x14c: {  	s12 =	simm.s32 $0x9  }
0x14d: {  	s13 =	simm.s32 $0x6800;
	[dreg:$0x18] =	wrdreg s0;
	s8 =	sadd.s32 $0x1000, s8  }
0x14e: {  	s0 =	simm.s32 $0x8  }
0x14f: {  	_ =	swait.ge [sflag:s0], $0x2000  }
0x150: {  	[sflag:s0] =	ssyncset.done $0x0  }
0x151: {  	[sflag:s0] =	ssyncadd.s32 $0xFFFFE000  }
0x152: {  	_ =	swait.ge [sflag:s0], $0x400  }
0x153: {  	[sflag:s0] =	ssyncset.done $0x0  }
0x154: {  	[sflag:s0] =	ssyncadd.s32 $0xFFFFFC00  }
0x155: {  	_ =	swait.ge [sflag:s0], $0x40  }
0x156: {  	[sflag:s0] =	ssyncset.done $0x0  }
0x157: {  	[sflag:s0] =	ssyncadd.s32 $0xFFFFFFC0  }
0x158: {  	[bflag:$0x0] =	sbarrier.arrive $0xFFFF  }
0x159: {  	s11 =	sld [smem:$0x7FD]  }
0x15a: {  	s7 =	sld [smem:$0x7F9]  }
0x15b: {  	s1 =	sld [smem:$0x7F2];
	_ =	sdelay $0x2  }
0x15c: {  	[hbm:s7], [sflag:s11] =	dma.local [spmem:s1], $0x2800  }
0x15d: {  	_ =	swait.ge [sflag:s12], $0x2800  }
0x15e: {  	s8 =	sld [smem:$0x7FA]  }
0x15f: {  	s9 =	sld [smem:$0x7F4]  }
0x160: {  	[sflag:s12] =	ssyncset.done $0x0  }
0x161: {  	[sflag:s12] =	ssyncadd.s32 $0xFFFFD800  }
0x162: {  	[hbm:s8], [sflag:s11] =	dma.local [spmem:s9], $0x500  }
0x163: {  	_ =	swait.ge [sflag:s12], $0x500  }
0x164: {  	s10 =	sld [smem:$0x7FB]  }
0x165: {  	s18 =	sld [smem:$0x7F3]  }
0x166: {  	[sflag:s12] =	ssyncset.done $0x0  }
0x167: {  	[sflag:s12] =	ssyncadd.s32 $0xFFFFFB00  }
0x168: {  	[hbm:s10], [sflag:s11] =	dma.local [spmem:s18], $0x50  }
0x169: {  	_ =	swait.ge [sflag:s12], $0x50  }
0x16a: {  	s23 =	sld [smem:$0x7F1]  }
0x16b: {  	s31 =	sld [smem:$0x7FC];
	_ =	sdelay $0x1  }
0x16c: {  	s1 =	sadd.s32 $0x1, s23  }
0x16d: {  	p0 =	sne.s32 s1, s31  }
.Ltmp2:
0x16e: {  	_ = 	snop;
	(pc) =	sbr.rel @p0 .LBB2_1-.Ltmp2, $3  }
0x16f: {  	_ =	sdelay $0x1  }
0x170: {  	[sflag:s12] =	ssyncset.done $0x0  }
0x171: {  	[sflag:s12] =	ssyncadd.s32 $0xFFFFFFB0  }
0x172: {  	_ =	sfence.sel $0x180000  }
0x173: {  	[bflag:$0x0] =	sbarrier.arrive $0xFFFF  }
0x174: {  	_ =	strace $0x90000047  }
0x175: {  	s0 =	stileid.u32;
	[bflag:$0x2] =	sbarrier.arrive $0xFFFF  }
0x176: {  	p0 =	sne.s32 s0, $0x0;
	s0 =	rddreg [dreg:$0x5]  }
0x177: {  	s0 =	sadd.s32 @!p0 $0x100000, s0  }
0x178: {  	[sflag:s0] =	ssyncadd.tile.s32 @!p0 $0x1;
	_ =	shalt  }
.Lfunc_end2:
_tile_overlayer_lowered:
.L_overlay_start_2:
0x179: {  	(tag) =	ssettag $0x2  }
0x17a: {  	s0 =	rddreg [dreg:$0x0];
	s2 =	stileid.u32  }
0x17b: {  	s1 =	rddreg [dreg:$0x1];
	p0 =	sne.s32 s2, $0x0  }
0x17c: {  	s3 =	rddreg [dreg:$0x2];
	[bflag:$0x3] =	sbarrier.arrive $0xFFFF;
	s2 =	simm.s32 @!p0 $0x1C09  }
0x17d: {  	[timem:s3], [sflag:s2] =	dma.local @!p0 [hbm:s0], s1  }
0x17e: {  	s0 =	simm.s32 @!p0 $0x9  }
0x17f: {  	_ =	swait.ge @!p0 [sflag:s0], s1  }
0x180: {  	s1 =	ssub.s32 @!p0 $0x0, s1;
	[sflag:s0] =	ssyncset.done @!p0 $0x0  }
0x181: {  	[sflag:s0] =	ssyncadd.s32 @!p0 s1  }
0x182: {  	[bflag:$0x3] =	sbarrier.arrive $0xFFFF  }
0x183: {  	_ =	shalt  }

</sc_bundles>
